<compile_context>
chip_gen: v7x
topology: tpu7x:2x2x1
jax: 0.10.2.dev20260603
libtpu: 0.0.44.dev20260713+nightly
codegen_flags: <defaults>
</compile_context>

<pallas_src>
import jax
import jax.numpy as jnp
from jax import lax
from jax.experimental import pallas as pl
from jax.experimental.pallas import tpu as pltpu
from jax.experimental.pallas import tpu_sc as plsc

N = 25000
D = 128
K = 7
NC, NS = 2, 16
NW = NC * NS
ROWS_PER_CHUNK = 16
IDX_PER_CHUNK = ROWS_PER_CHUNK * K
CHUNKS_PER_WORKER = 49
NBUF = 4
NSTAGE = 8


def _sc_body(x_hbm, idx_hbm, out_hbm, sbuf, idx_f, gbuf, obuf, ssem, gsem, osem):
    wid = lax.axis_index("s") * NC + lax.axis_index("c")
    rows_per_worker = CHUNKS_PER_WORKER * ROWS_PER_CHUNK
    base_row = jnp.minimum(wid * rows_per_worker, N - rows_per_worker)

    def stage_copy(c, slot):
        return pltpu.make_async_copy(
            idx_hbm.at[pl.ds(base_row + c * ROWS_PER_CHUNK, ROWS_PER_CHUNK), :],
            sbuf.at[slot],
            ssem.at[slot],
        )

    def flatten(c, sslot, islot):
        slots = jnp.full((16,), sslot, jnp.int32)
        rows = lax.iota(jnp.int32, 16)
        for k in range(K):
            cols = jnp.full((16,), k, jnp.int32)
            idx_f[islot, pl.ds(k * 16, 16)] = plsc.load_gather(
                sbuf, [slots, rows, cols]
            )

    def gather_copy(slot):
        return pltpu.make_async_copy(
            x_hbm.at[idx_f.at[slot]],
            gbuf.at[slot],
            gsem.at[slot],
        )

    def out_slice(c):
        return out_hbm.at[pl.ds(base_row + c * ROWS_PER_CHUNK, ROWS_PER_CHUNK), :]

    for j in range(NBUF + 2):
        stage_copy(j, j % NSTAGE).start()
    for j in range(NBUF - 1):
        stage_copy(j, j % NSTAGE).wait()
        flatten(j, j % NSTAGE, j)
        gather_copy(j).start()

    def chunk_body(c, carry):
        slot = lax.rem(c, NBUF)

        @pl.when(c + NBUF + 2 < CHUNKS_PER_WORKER)
        def _():
            stage_copy(c + NBUF + 2, lax.rem(c + NBUF + 2, NSTAGE)).start()

        @pl.when(c + NBUF - 1 < CHUNKS_PER_WORKER)
        def _():
            cn = c + NBUF - 1
            sslot = lax.rem(cn, NSTAGE)
            nslot = lax.rem(cn, NBUF)
            stage_copy(cn, sslot).wait()
            flatten(cn, sslot, nslot)
            gather_copy(nslot).start()

        gather_copy(slot).wait()

        @pl.when(c >= NBUF)
        def _():
            pltpu.make_async_copy(obuf.at[slot], out_slice(c), osem.at[slot]).wait()

        def row_body(i, carry2):
            for g in range(D // 16):
                s = pl.ds(g * 16, 16)
                m = gbuf[slot, i, s]
                for k in range(1, K):
                    m = jnp.maximum(m, gbuf[slot, i + k * ROWS_PER_CHUNK, s])
                obuf[slot, i, s] = m
            return carry2

        lax.fori_loop(0, ROWS_PER_CHUNK, row_body, 0)
        pltpu.async_copy(obuf.at[slot], out_slice(c), osem.at[slot])
        return carry

    lax.fori_loop(0, CHUNKS_PER_WORKER, chunk_body, 0)
    for slot in range(NBUF):
        pltpu.make_async_copy(obuf.at[slot], out_slice(0), osem.at[slot]).wait()


@jax.jit
def _hex_pool(x, ni):
    mesh = plsc.VectorSubcoreMesh(
        core_axis_name="c", subcore_axis_name="s", num_cores=NC, num_subcores=NS
    )
    return pl.kernel(
        _sc_body,
        out_type=jax.ShapeDtypeStruct((N, D), jnp.float32),
        mesh=mesh,
        compiler_params=pltpu.CompilerParams(
            needs_layout_passes=False, use_tc_tiling_on_sc=True
        ),
        scratch_types=[
            pltpu.VMEM((NSTAGE, ROWS_PER_CHUNK, K), jnp.int32),
            pltpu.VMEM((NBUF, IDX_PER_CHUNK), jnp.int32),
            pltpu.VMEM((NBUF, IDX_PER_CHUNK, D), jnp.float32),
            pltpu.VMEM((NBUF, ROWS_PER_CHUNK, D), jnp.float32),
            pltpu.SemaphoreType.DMA((NSTAGE,)),
            pltpu.SemaphoreType.DMA((NBUF,)),
            pltpu.SemaphoreType.DMA((NBUF,)),
        ],
    )(x, ni)


def kernel(x, neigh_indices):
    return _hex_pool(x, neigh_indices.astype(jnp.int32))

# --- scband reference (transcript-rebuilt; emitter-appended) ---
"""Pipeline reference for scband-hex-pool-68805376082188 (READ-ONLY COPY).

The authoritative reference and input builder live on the scoring server;
editing this copy changes nothing except your own understanding.
"""

import jax, jax.numpy as jnp
import numpy as np


def setup_inputs(seed: int = 0) -> dict:
    key = jax.random.key(seed)
    k1, k2 = jax.random.split(key)
    x = jax.random.normal(k1, (100000, 128), dtype=jnp.float32)
    neigh_indices = jax.random.randint(k2, (25000, 7), 0, 25000, dtype=jnp.int64)
    return {"x": x, "neigh_indices": neigh_indices}


def reference(x, neigh_indices):
    n = neigh_indices.shape[0]
    # x[:len(neigh_indices)][neigh_indices] -> [n, K, d]
    gathered = jnp.take(x[:n], neigh_indices, axis=0)
    # torch.max(x, dim=1)[0] -> max over neighbor axis
    out = jnp.max(gathered, axis=1)
    return out

if __name__ == "__main__":
    import jax
    _d = setup_inputs()
    print(jax.jit(kernel)(*tuple(_d.values())))

</pallas_src>

<mosaic_0001>
#map = affine_map<(d0, d1) -> (0, 0)>
module attributes {stable_mosaic.version = 14 : i64} {
  func.func @_sc_body(%arg0: i32, %arg1: i32, %arg2: memref<100000x128xf32, #tpu.memory_space<hbm>>, %arg3: memref<25000x7xi32, #tpu.memory_space<hbm>>, %arg4: memref<25000x128xf32, #tpu.memory_space<hbm>>, %arg5: memref<8x16x7xi32, #tpu.memory_space<vmem>>, %arg6: memref<4x112xi32, #tpu.memory_space<vmem>>, %arg7: memref<4x112x128xf32, #tpu.memory_space<vmem>>, %arg8: memref<4x16x128xf32, #tpu.memory_space<vmem>>, %arg9: memref<8x!tpu.dma_semaphore, #tpu.memory_space<semaphore_mem>>, %arg10: memref<4x!tpu.dma_semaphore, #tpu.memory_space<semaphore_mem>>, %arg11: memref<4x!tpu.dma_semaphore, #tpu.memory_space<semaphore_mem>>) attributes {dimension_semantics = [#tpu.dimension_semantics<core_parallel>, #tpu.dimension_semantics<subcore_parallel>], iteration_bounds = array<i64: 2, 16>, scalar_prefetch = 0 : i64, scratch_operands = 7 : i64, tpu.core_type = #tpu.core_type<sc_vector_subcore>, window_params = [{transform_indices = #map}, {transform_indices = #map}, {transform_indices = #map}]} {
    %mul3A = arith.constant 2 : i32
    %mul3A_0 = arith.muli %arg1, %mul3A : i32
    %add3A = arith.addi %mul3A_0, %arg0 : i32
    %mul3A_1 = arith.constant 784 : i32
    %mul3A_2 = arith.muli %add3A, %mul3A_1 : i32
    %min3A = arith.constant 24216 : i32
    %min3A_3 = arith.minsi %mul3A_2, %min3A : i32
    %add3A_4 = arith.constant 0 : i32
    %add3A_5 = arith.addi %min3A_3, %add3A_4 : i32
    %dma_start3A = arith.constant 0 : i32
    %dma_start3A_6 = arith.constant 0 : i32
    %dma_start3A_7 = arith.constant 0 : i32
    %dma_start3A_8 = arith.constant 0 : i32
    %dma_start3A_9 = tpu.memref_slice %arg5[%dma_start3A, %dma_start3A_7, %dma_start3A_8] : memref<8x16x7xi32, #tpu.memory_space<vmem>> -> memref<1x16x7xi32, #tpu.memory_space<vmem>>
    %dma_start3A_10 = tpu.memref_squeeze %dma_start3A_9 : memref<1x16x7xi32, #tpu.memory_space<vmem>> -> memref<16x7xi32, #tpu.memory_space<vmem>>
    %dma_start3A_11 = arith.constant 0 : i32
    %dma_start3A_12 = tpu.memref_slice %arg3[%add3A_5, %dma_start3A_11] : memref<25000x7xi32, #tpu.memory_space<hbm>> -> memref<16x7xi32, #tpu.memory_space<hbm>>
    %dma_start3A_13 = tpu.memref_slice %arg9[%dma_start3A_6] : memref<8x!tpu.dma_semaphore, #tpu.memory_space<semaphore_mem>> -> memref<1x!tpu.dma_semaphore, #tpu.memory_space<semaphore_mem>>
    %dma_start3A_14 = tpu.memref_squeeze %dma_start3A_13 : memref<1x!tpu.dma_semaphore, #tpu.memory_space<semaphore_mem>> -> memref<!tpu.dma_semaphore, #tpu.memory_space<semaphore_mem>>
    %dma_start3A_15 = arith.constant 0 : i32
    %dma_start3A_16 = arith.constant 0 : i32
    %dma_start3A_17 = tpu.memref_slice %arg5[%dma_start3A, %dma_start3A_15, %dma_start3A_16] : memref<8x16x7xi32, #tpu.memory_space<vmem>> -> memref<1x16x7xi32, #tpu.memory_space<vmem>>
    %dma_start3A_18 = tpu.memref_squeeze %dma_start3A_17 : memref<1x16x7xi32, #tpu.memory_space<vmem>> -> memref<16x7xi32, #tpu.memory_space<vmem>>
    %dma_start3A_19 = arith.constant 0 : i32
    %dma_start3A_20 = tpu.memref_slice %arg3[%add3A_5, %dma_start3A_19] : memref<25000x7xi32, #tpu.memory_space<hbm>> -> memref<16x7xi32, #tpu.memory_space<hbm>>
    tpu.enqueue_dma source(%dma_start3A_20 : memref<16x7xi32, #tpu.memory_space<hbm>>) target(%dma_start3A_18 : memref<16x7xi32, #tpu.memory_space<vmem>>) target_semaphore(%dma_start3A_14 : memref<!tpu.dma_semaphore, #tpu.memory_space<semaphore_mem>>)
    %add3A_21 = arith.constant 16 : i32
    %add3A_22 = arith.addi %min3A_3, %add3A_21 : i32
    %dma_start3A_23 = arith.constant 1 : i32
    %dma_start3A_24 = arith.constant 1 : i32
    %dma_start3A_25 = arith.constant 0 : i32
    %dma_start3A_26 = arith.constant 0 : i32
    %dma_start3A_27 = tpu.memref_slice %arg5[%dma_start3A_23, %dma_start3A_25, %dma_start3A_26] : memref<8x16x7xi32, #tpu.memory_space<vmem>> -> memref<1x16x7xi32, #tpu.memory_space<vmem>>
    %dma_start3A_28 = tpu.memref_squeeze %dma_start3A_27 : memref<1x16x7xi32, #tpu.memory_space<vmem>> -> memref<16x7xi32, #tpu.memory_space<vmem>>
    %dma_start3A_29 = arith.constant 0 : i32
    %dma_start3A_30 = tpu.memref_slice %arg3[%add3A_22, %dma_start3A_29] : memref<25000x7xi32, #tpu.memory_space<hbm>> -> memref<16x7xi32, #tpu.memory_space<hbm>>
    %dma_start3A_31 = tpu.memref_slice %arg9[%dma_start3A_24] : memref<8x!tpu.dma_semaphore, #tpu.memory_space<semaphore_mem>> -> memref<1x!tpu.dma_semaphore, #tpu.memory_space<semaphore_mem>>
    %dma_start3A_32 = tpu.memref_squeeze %dma_start3A_31 : memref<1x!tpu.dma_semaphore, #tpu.memory_space<semaphore_mem>> -> memref<!tpu.dma_semaphore, #tpu.memory_space<semaphore_mem>>
    %dma_start3A_33 = arith.constant 0 : i32
    %dma_start3A_34 = arith.constant 0 : i32
    %dma_start3A_35 = tpu.memref_slice %arg5[%dma_start3A_23, %dma_start3A_33, %dma_start3A_34] : memref<8x16x7xi32, #tpu.memory_space<vmem>> -> memref<1x16x7xi32, #tpu.memory_space<vmem>>
    %dma_start3A_36 = tpu.memref_squeeze %dma_start3A_35 : memref<1x16x7xi32, #tpu.memory_space<vmem>> -> memref<16x7xi32, #tpu.memory_space<vmem>>
    %dma_start3A_37 = arith.constant 0 : i32
    %dma_start3A_38 = tpu.memref_slice %arg3[%add3A_22, %dma_start3A_37] : memref<25000x7xi32, #tpu.memory_space<hbm>> -> memref<16x7xi32, #tpu.memory_space<hbm>>
    tpu.enqueue_dma source(%dma_start3A_38 : memref<16x7xi32, #tpu.memory_space<hbm>>) target(%dma_start3A_36 : memref<16x7xi32, #tpu.memory_space<vmem>>) target_semaphore(%dma_start3A_32 : memref<!tpu.dma_semaphore, #tpu.memory_space<semaphore_mem>>)
    %add3A_39 = arith.constant 32 : i32
    %add3A_40 = arith.addi %min3A_3, %add3A_39 : i32
    %dma_start3A_41 = arith.constant 2 : i32
    %dma_start3A_42 = arith.constant 2 : i32
    %dma_start3A_43 = arith.constant 0 : i32
    %dma_start3A_44 = arith.constant 0 : i32
    %dma_start3A_45 = tpu.memref_slice %arg5[%dma_start3A_41, %dma_start3A_43, %dma_start3A_44] : memref<8x16x7xi32, #tpu.memory_space<vmem>> -> memref<1x16x7xi32, #tpu.memory_space<vmem>>
    %dma_start3A_46 = tpu.memref_squeeze %dma_start3A_45 : memref<1x16x7xi32, #tpu.memory_space<vmem>> -> memref<16x7xi32, #tpu.memory_space<vmem>>
    %dma_start3A_47 = arith.constant 0 : i32
    %dma_start3A_48 = tpu.memref_slice %arg3[%add3A_40, %dma_start3A_47] : memref<25000x7xi32, #tpu.memory_space<hbm>> -> memref<16x7xi32, #tpu.memory_space<hbm>>
    %dma_start3A_49 = tpu.memref_slice %arg9[%dma_start3A_42] : memref<8x!tpu.dma_semaphore, #tpu.memory_space<semaphore_mem>> -> memref<1x!tpu.dma_semaphore, #tpu.memory_space<semaphore_mem>>
    %dma_start3A_50 = tpu.memref_squeeze %dma_start3A_49 : memref<1x!tpu.dma_semaphore, #tpu.memory_space<semaphore_mem>> -> memref<!tpu.dma_semaphore, #tpu.memory_space<semaphore_mem>>
    %dma_start3A_51 = arith.constant 0 : i32
    %dma_start3A_52 = arith.constant 0 : i32
    %dma_start3A_53 = tpu.memref_slice %arg5[%dma_start3A_41, %dma_start3A_51, %dma_start3A_52] : memref<8x16x7xi32, #tpu.memory_space<vmem>> -> memref<1x16x7xi32, #tpu.memory_space<vmem>>
    %dma_start3A_54 = tpu.memref_squeeze %dma_start3A_53 : memref<1x16x7xi32, #tpu.memory_space<vmem>> -> memref<16x7xi32, #tpu.memory_space<vmem>>
    %dma_start3A_55 = arith.constant 0 : i32
    %dma_start3A_56 = tpu.memref_slice %arg3[%add3A_40, %dma_start3A_55] : memref<25000x7xi32, #tpu.memory_space<hbm>> -> memref<16x7xi32, #tpu.memory_space<hbm>>
    tpu.enqueue_dma source(%dma_start3A_56 : memref<16x7xi32, #tpu.memory_space<hbm>>) target(%dma_start3A_54 : memref<16x7xi32, #tpu.memory_space<vmem>>) target_semaphore(%dma_start3A_50 : memref<!tpu.dma_semaphore, #tpu.memory_space<semaphore_mem>>)
    %add3A_57 = arith.constant 48 : i32
    %add3A_58 = arith.addi %min3A_3, %add3A_57 : i32
    %dma_start3A_59 = arith.constant 3 : i32
    %dma_start3A_60 = arith.constant 3 : i32
    %dma_start3A_61 = arith.constant 0 : i32
    %dma_start3A_62 = arith.constant 0 : i32
    %dma_start3A_63 = tpu.memref_slice %arg5[%dma_start3A_59, %dma_start3A_61, %dma_start3A_62] : memref<8x16x7xi32, #tpu.memory_space<vmem>> -> memref<1x16x7xi32, #tpu.memory_space<vmem>>
    %dma_start3A_64 = tpu.memref_squeeze %dma_start3A_63 : memref<1x16x7xi32, #tpu.memory_space<vmem>> -> memref<16x7xi32, #tpu.memory_space<vmem>>
    %dma_start3A_65 = arith.constant 0 : i32
    %dma_start3A_66 = tpu.memref_slice %arg3[%add3A_58, %dma_start3A_65] : memref<25000x7xi32, #tpu.memory_space<hbm>> -> memref<16x7xi32, #tpu.memory_space<hbm>>
    %dma_start3A_67 = tpu.memref_slice %arg9[%dma_start3A_60] : memref<8x!tpu.dma_semaphore, #tpu.memory_space<semaphore_mem>> -> memref<1x!tpu.dma_semaphore, #tpu.memory_space<semaphore_mem>>
    %dma_start3A_68 = tpu.memref_squeeze %dma_start3A_67 : memref<1x!tpu.dma_semaphore, #tpu.memory_space<semaphore_mem>> -> memref<!tpu.dma_semaphore, #tpu.memory_space<semaphore_mem>>
    %dma_start3A_69 = arith.constant 0 : i32
    %dma_start3A_70 = arith.constant 0 : i32
    %dma_start3A_71 = tpu.memref_slice %arg5[%dma_start3A_59, %dma_start3A_69, %dma_start3A_70] : memref<8x16x7xi32, #tpu.memory_space<vmem>> -> memref<1x16x7xi32, #tpu.memory_space<vmem>>
    %dma_start3A_72 = tpu.memref_squeeze %dma_start3A_71 : memref<1x16x7xi32, #tpu.memory_space<vmem>> -> memref<16x7xi32, #tpu.memory_space<vmem>>
    %dma_start3A_73 = arith.constant 0 : i32
    %dma_start3A_74 = tpu.memref_slice %arg3[%add3A_58, %dma_start3A_73] : memref<25000x7xi32, #tpu.memory_space<hbm>> -> memref<16x7xi32, #tpu.memory_space<hbm>>
    tpu.enqueue_dma source(%dma_start3A_74 : memref<16x7xi32, #tpu.memory_space<hbm>>) target(%dma_start3A_72 : memref<16x7xi32, #tpu.memory_space<vmem>>) target_semaphore(%dma_start3A_68 : memref<!tpu.dma_semaphore, #tpu.memory_space<semaphore_mem>>)
    %add3A_75 = arith.constant 64 : i32
    %add3A_76 = arith.addi %min3A_3, %add3A_75 : i32
    %dma_start3A_77 = arith.constant 4 : i32
    %dma_start3A_78 = arith.constant 4 : i32
    %dma_start3A_79 = arith.constant 0 : i32
    %dma_start3A_80 = arith.constant 0 : i32
    %dma_start3A_81 = tpu.memref_slice %arg5[%dma_start3A_77, %dma_start3A_79, %dma_start3A_80] : memref<8x16x7xi32, #tpu.memory_space<vmem>> -> memref<1x16x7xi32, #tpu.memory_space<vmem>>
    %dma_start3A_82 = tpu.memref_squeeze %dma_start3A_81 : memref<1x16x7xi32, #tpu.memory_space<vmem>> -> memref<16x7xi32, #tpu.memory_space<vmem>>
    %dma_start3A_83 = arith.constant 0 : i32
    %dma_start3A_84 = tpu.memref_slice %arg3[%add3A_76, %dma_start3A_83] : memref<25000x7xi32, #tpu.memory_space<hbm>> -> memref<16x7xi32, #tpu.memory_space<hbm>>
    %dma_start3A_85 = tpu.memref_slice %arg9[%dma_start3A_78] : memref<8x!tpu.dma_semaphore, #tpu.memory_space<semaphore_mem>> -> memref<1x!tpu.dma_semaphore, #tpu.memory_space<semaphore_mem>>
    %dma_start3A_86 = tpu.memref_squeeze %dma_start3A_85 : memref<1x!tpu.dma_semaphore, #tpu.memory_space<semaphore_mem>> -> memref<!tpu.dma_semaphore, #tpu.memory_space<semaphore_mem>>
    %dma_start3A_87 = arith.constant 0 : i32
    %dma_start3A_88 = arith.constant 0 : i32
    %dma_start3A_89 = tpu.memref_slice %arg5[%dma_start3A_77, %dma_start3A_87, %dma_start3A_88] : memref<8x16x7xi32, #tpu.memory_space<vmem>> -> memref<1x16x7xi32, #tpu.memory_space<vmem>>
    %dma_start3A_90 = tpu.memref_squeeze %dma_start3A_89 : memref<1x16x7xi32, #tpu.memory_space<vmem>> -> memref<16x7xi32, #tpu.memory_space<vmem>>
    %dma_start3A_91 = arith.constant 0 : i32
    %dma_start3A_92 = tpu.memref_slice %arg3[%add3A_76, %dma_start3A_91] : memref<25000x7xi32, #tpu.memory_space<hbm>> -> memref<16x7xi32, #tpu.memory_space<hbm>>
    tpu.enqueue_dma source(%dma_start3A_92 : memref<16x7xi32, #tpu.memory_space<hbm>>) target(%dma_start3A_90 : memref<16x7xi32, #tpu.memory_space<vmem>>) target_semaphore(%dma_start3A_86 : memref<!tpu.dma_semaphore, #tpu.memory_space<semaphore_mem>>)
    %add3A_93 = arith.constant 80 : i32
    %add3A_94 = arith.addi %min3A_3, %add3A_93 : i32
    %dma_start3A_95 = arith.constant 5 : i32
    %dma_start3A_96 = arith.constant 5 : i32
    %dma_start3A_97 = arith.constant 0 : i32
    %dma_start3A_98 = arith.constant 0 : i32
    %dma_start3A_99 = tpu.memref_slice %arg5[%dma_start3A_95, %dma_start3A_97, %dma_start3A_98] : memref<8x16x7xi32, #tpu.memory_space<vmem>> -> memref<1x16x7xi32, #tpu.memory_space<vmem>>
    %dma_start3A_100 = tpu.memref_squeeze %dma_start3A_99 : memref<1x16x7xi32, #tpu.memory_space<vmem>> -> memref<16x7xi32, #tpu.memory_space<vmem>>
    %dma_start3A_101 = arith.constant 0 : i32
    %dma_start3A_102 = tpu.memref_slice %arg3[%add3A_94, %dma_start3A_101] : memref<25000x7xi32, #tpu.memory_space<hbm>> -> memref<16x7xi32, #tpu.memory_space<hbm>>
    %dma_start3A_103 = tpu.memref_slice %arg9[%dma_start3A_96] : memref<8x!tpu.dma_semaphore, #tpu.memory_space<semaphore_mem>> -> memref<1x!tpu.dma_semaphore, #tpu.memory_space<semaphore_mem>>
    %dma_start3A_104 = tpu.memref_squeeze %dma_start3A_103 : memref<1x!tpu.dma_semaphore, #tpu.memory_space<semaphore_mem>> -> memref<!tpu.dma_semaphore, #tpu.memory_space<semaphore_mem>>
    %dma_start3A_105 = arith.constant 0 : i32
    %dma_start3A_106 = arith.constant 0 : i32
    %dma_start3A_107 = tpu.memref_slice %arg5[%dma_start3A_95, %dma_start3A_105, %dma_start3A_106] : memref<8x16x7xi32, #tpu.memory_space<vmem>> -> memref<1x16x7xi32, #tpu.memory_space<vmem>>
    %dma_start3A_108 = tpu.memref_squeeze %dma_start3A_107 : memref<1x16x7xi32, #tpu.memory_space<vmem>> -> memref<16x7xi32, #tpu.memory_space<vmem>>
    %dma_start3A_109 = arith.constant 0 : i32
    %dma_start3A_110 = tpu.memref_slice %arg3[%add3A_94, %dma_start3A_109] : memref<25000x7xi32, #tpu.memory_space<hbm>> -> memref<16x7xi32, #tpu.memory_space<hbm>>
    tpu.enqueue_dma source(%dma_start3A_110 : memref<16x7xi32, #tpu.memory_space<hbm>>) target(%dma_start3A_108 : memref<16x7xi32, #tpu.memory_space<vmem>>) target_semaphore(%dma_start3A_104 : memref<!tpu.dma_semaphore, #tpu.memory_space<semaphore_mem>>)
    %add3A_111 = arith.constant 0 : i32
    %add3A_112 = arith.addi %min3A_3, %add3A_111 : i32
    %dma_wait3A = arith.constant 0 : i32
    %dma_wait3A_113 = arith.constant 0 : i32
    %dma_wait3A_114 = arith.constant 0 : i32
    %dma_wait3A_115 = arith.constant 0 : i32
    %dma_wait3A_116 = tpu.memref_slice %arg5[%dma_wait3A, %dma_wait3A_114, %dma_wait3A_115] : memref<8x16x7xi32, #tpu.memory_space<vmem>> -> memref<1x16x7xi32, #tpu.memory_space<vmem>>
    %dma_wait3A_117 = tpu.memref_squeeze %dma_wait3A_116 : memref<1x16x7xi32, #tpu.memory_space<vmem>> -> memref<16x7xi32, #tpu.memory_space<vmem>>
    %dma_wait3A_118 = arith.constant 0 : i32
    %dma_wait3A_119 = tpu.memref_slice %arg3[%add3A_112, %dma_wait3A_118] : memref<25000x7xi32, #tpu.memory_space<hbm>> -> memref<16x7xi32, #tpu.memory_space<hbm>>
    %dma_wait3A_120 = tpu.memref_slice %arg9[%dma_wait3A_113] : memref<8x!tpu.dma_semaphore, #tpu.memory_space<semaphore_mem>> -> memref<1x!tpu.dma_semaphore, #tpu.memory_space<semaphore_mem>>
    %dma_wait3A_121 = tpu.memref_squeeze %dma_wait3A_120 : memref<1x!tpu.dma_semaphore, #tpu.memory_space<semaphore_mem>> -> memref<!tpu.dma_semaphore, #tpu.memory_space<semaphore_mem>>
    %dma_wait3A_122 = arith.constant 0 : i32
    %dma_wait3A_123 = arith.constant 0 : i32
    %dma_wait3A_124 = tpu.memref_slice %arg5[%dma_wait3A, %dma_wait3A_122, %dma_wait3A_123] : memref<8x16x7xi32, #tpu.memory_space<vmem>> -> memref<1x16x7xi32, #tpu.memory_space<vmem>>
    %dma_wait3A_125 = tpu.memref_squeeze %dma_wait3A_124 : memref<1x16x7xi32, #tpu.memory_space<vmem>> -> memref<16x7xi32, #tpu.memory_space<vmem>>
    %dma_wait3A_126 = arith.constant 0 : i32
    %dma_wait3A_127 = tpu.memref_slice %arg3[%add3A_112, %dma_wait3A_126] : memref<25000x7xi32, #tpu.memory_space<hbm>> -> memref<16x7xi32, #tpu.memory_space<hbm>>
    tpu.wait_dma2 semaphore(%dma_wait3A_121 : memref<!tpu.dma_semaphore, #tpu.memory_space<semaphore_mem>>) src(%dma_wait3A_127 : memref<16x7xi32, #tpu.memory_space<hbm>>) dst(%dma_wait3A_125 : memref<16x7xi32, #tpu.memory_space<vmem>>)
    %broadcast_in_dim3A = arith.constant 0 : i32
    %broadcast_in_dim3A_128 = vector.broadcast %broadcast_in_dim3A : i32 to vector<16xi32>
    %iota3A = tpu.iota {dimensions = array<i32: 0>} : vector<16xi32>
    %broadcast_in_dim3A_129 = arith.constant 0 : i32
    %broadcast_in_dim3A_130 = vector.broadcast %broadcast_in_dim3A_129 : i32 to vector<16xi32>
    %gather3A = tpu.vector_load_idx %arg5[%broadcast_in_dim3A_128, %iota3A, %broadcast_in_dim3A_130] : memref<8x16x7xi32, #tpu.memory_space<vmem>>[vector<16xi32>, vector<16xi32>, vector<16xi32>], vector<16xi32>,
    %swap3A = arith.constant 0 : i32
    %swap3A_131 = arith.index_cast %swap3A : i32 to index
    %swap3A_132 = arith.constant 0 : index
    %swap3A_133 = tpu.vector_load %arg6[%swap3A_131, %swap3A_132] {strides = array<i32>} : memref<4x112xi32, #tpu.memory_space<vmem>>, vector<16xi32>,
    tpu.vector_store %arg6[%swap3A_131, %swap3A_132], %gather3A {strides = array<i32>} : memref<4x112xi32, #tpu.memory_space<vmem>>, vector<16xi32>,
    %broadcast_in_dim3A_134 = arith.constant 1 : i32
    %broadcast_in_dim3A_135 = vector.broadcast %broadcast_in_dim3A_134 : i32 to vector<16xi32>
    %gather3A_136 = tpu.vector_load_idx %arg5[%broadcast_in_dim3A_128, %iota3A, %broadcast_in_dim3A_135] : memref<8x16x7xi32, #tpu.memory_space<vmem>>[vector<16xi32>, vector<16xi32>, vector<16xi32>], vector<16xi32>,
    %swap3A_137 = arith.constant 0 : i32
    %swap3A_138 = arith.index_cast %swap3A_137 : i32 to index
    %swap3A_139 = arith.constant 16 : index
    %swap3A_140 = tpu.vector_load %arg6[%swap3A_138, %swap3A_139] {strides = array<i32>} : memref<4x112xi32, #tpu.memory_space<vmem>>, vector<16xi32>,
    tpu.vector_store %arg6[%swap3A_138, %swap3A_139], %gather3A_136 {strides = array<i32>} : memref<4x112xi32, #tpu.memory_space<vmem>>, vector<16xi32>,
    %broadcast_in_dim3A_141 = arith.constant 2 : i32
    %broadcast_in_dim3A_142 = vector.broadcast %broadcast_in_dim3A_141 : i32 to vector<16xi32>
    %gather3A_143 = tpu.vector_load_idx %arg5[%broadcast_in_dim3A_128, %iota3A, %broadcast_in_dim3A_142] : memref<8x16x7xi32, #tpu.memory_space<vmem>>[vector<16xi32>, vector<16xi32>, vector<16xi32>], vector<16xi32>,
    %swap3A_144 = arith.constant 0 : i32
    %swap3A_145 = arith.index_cast %swap3A_144 : i32 to index
    %swap3A_146 = arith.constant 32 : index
    %swap3A_147 = tpu.vector_load %arg6[%swap3A_145, %swap3A_146] {strides = array<i32>} : memref<4x112xi32, #tpu.memory_space<vmem>>, vector<16xi32>,
    tpu.vector_store %arg6[%swap3A_145, %swap3A_146], %gather3A_143 {strides = array<i32>} : memref<4x112xi32, #tpu.memory_space<vmem>>, vector<16xi32>,
    %broadcast_in_dim3A_148 = arith.constant 3 : i32
    %broadcast_in_dim3A_149 = vector.broadcast %broadcast_in_dim3A_148 : i32 to vector<16xi32>
    %gather3A_150 = tpu.vector_load_idx %arg5[%broadcast_in_dim3A_128, %iota3A, %broadcast_in_dim3A_149] : memref<8x16x7xi32, #tpu.memory_space<vmem>>[vector<16xi32>, vector<16xi32>, vector<16xi32>], vector<16xi32>,
    %swap3A_151 = arith.constant 0 : i32
    %swap3A_152 = arith.index_cast %swap3A_151 : i32 to index
    %swap3A_153 = arith.constant 48 : index
    %swap3A_154 = tpu.vector_load %arg6[%swap3A_152, %swap3A_153] {strides = array<i32>} : memref<4x112xi32, #tpu.memory_space<vmem>>, vector<16xi32>,
    tpu.vector_store %arg6[%swap3A_152, %swap3A_153], %gather3A_150 {strides = array<i32>} : memref<4x112xi32, #tpu.memory_space<vmem>>, vector<16xi32>,
    %broadcast_in_dim3A_155 = arith.constant 4 : i32
    %broadcast_in_dim3A_156 = vector.broadcast %broadcast_in_dim3A_155 : i32 to vector<16xi32>
    %gather3A_157 = tpu.vector_load_idx %arg5[%broadcast_in_dim3A_128, %iota3A, %broadcast_in_dim3A_156] : memref<8x16x7xi32, #tpu.memory_space<vmem>>[vector<16xi32>, vector<16xi32>, vector<16xi32>], vector<16xi32>,
    %swap3A_158 = arith.constant 0 : i32
    %swap3A_159 = arith.index_cast %swap3A_158 : i32 to index
    %swap3A_160 = arith.constant 64 : index
    %swap3A_161 = tpu.vector_load %arg6[%swap3A_159, %swap3A_160] {strides = array<i32>} : memref<4x112xi32, #tpu.memory_space<vmem>>, vector<16xi32>,
    tpu.vector_store %arg6[%swap3A_159, %swap3A_160], %gather3A_157 {strides = array<i32>} : memref<4x112xi32, #tpu.memory_space<vmem>>, vector<16xi32>,
    %broadcast_in_dim3A_162 = arith.constant 5 : i32
    %broadcast_in_dim3A_163 = vector.broadcast %broadcast_in_dim3A_162 : i32 to vector<16xi32>
    %gather3A_164 = tpu.vector_load_idx %arg5[%broadcast_in_dim3A_128, %iota3A, %broadcast_in_dim3A_163] : memref<8x16x7xi32, #tpu.memory_space<vmem>>[vector<16xi32>, vector<16xi32>, vector<16xi32>], vector<16xi32>,
    %swap3A_165 = arith.constant 0 : i32
    %swap3A_166 = arith.index_cast %swap3A_165 : i32 to index
    %swap3A_167 = arith.constant 80 : index
    %swap3A_168 = tpu.vector_load %arg6[%swap3A_166, %swap3A_167] {strides = array<i32>} : memref<4x112xi32, #tpu.memory_space<vmem>>, vector<16xi32>,
    tpu.vector_store %arg6[%swap3A_166, %swap3A_167], %gather3A_164 {strides = array<i32>} : memref<4x112xi32, #tpu.memory_space<vmem>>, vector<16xi32>,
    %broadcast_in_dim3A_169 = arith.constant 6 : i32
    %broadcast_in_dim3A_170 = vector.broadcast %broadcast_in_dim3A_169 : i32 to vector<16xi32>
    %gather3A_171 = tpu.vector_load_idx %arg5[%broadcast_in_dim3A_128, %iota3A, %broadcast_in_dim3A_170] : memref<8x16x7xi32, #tpu.memory_space<vmem>>[vector<16xi32>, vector<16xi32>, vector<16xi32>], vector<16xi32>,
    %swap3A_172 = arith.constant 0 : i32
    %swap3A_173 = arith.index_cast %swap3A_172 : i32 to index
    %swap3A_174 = arith.constant 96 : index
    %swap3A_175 = tpu.vector_load %arg6[%swap3A_173, %swap3A_174] {strides = array<i32>} : memref<4x112xi32, #tpu.memory_space<vmem>>, vector<16xi32>,
    tpu.vector_store %arg6[%swap3A_173, %swap3A_174], %gather3A_171 {strides = array<i32>} : memref<4x112xi32, #tpu.memory_space<vmem>>, vector<16xi32>,
    %dma_start3A_176 = arith.constant 0 : i32
    %dma_start3A_177 = arith.constant 0 : i32
    %dma_start3A_178 = arith.constant 0 : i32
    %dma_start3A_179 = arith.constant 0 : i32
    %dma_start3A_180 = arith.constant 0 : i32
    %dma_start3A_181 = tpu.memref_slice %arg7[%dma_start3A_177, %dma_start3A_179, %dma_start3A_180] : memref<4x112x128xf32, #tpu.memory_space<vmem>> -> memref<1x112x128xf32, #tpu.memory_space<vmem>>
    %dma_start3A_182 = tpu.memref_squeeze %dma_start3A_181 : memref<1x112x128xf32, #tpu.memory_space<vmem>> -> memref<112x128xf32, #tpu.memory_space<vmem>>
    %dma_start3A_183 = arith.constant 0 : i32
    %dma_start3A_184 = tpu.memref_slice %arg6[%dma_start3A_176, %dma_start3A_183] : memref<4x112xi32, #tpu.memory_space<vmem>> -> memref<1x112xi32, #tpu.memory_space<vmem>>
    %dma_start3A_185 = tpu.memref_squeeze %dma_start3A_184 : memref<1x112xi32, #tpu.memory_space<vmem>> -> memref<112xi32, #tpu.memory_space<vmem>>
    %dma_start3A_186 = arith.constant 0 : i32
    %dma_start3A_187 = arith.constant 0 : i32
    %dma_start3A_188 = tpu.memref_slice %arg2[%dma_start3A_186, %dma_start3A_187] : memref<100000x128xf32, #tpu.memory_space<hbm>> -> memref<100000x128xf32, #tpu.memory_space<hbm>>
    %dma_start3A_189 = tpu.memref_slice %arg10[%dma_start3A_178] : memref<4x!tpu.dma_semaphore, #tpu.memory_space<semaphore_mem>> -> memref<1x!tpu.dma_semaphore, #tpu.memory_space<semaphore_mem>>
    %dma_start3A_190 = tpu.memref_squeeze %dma_start3A_189 : memref<1x!tpu.dma_semaphore, #tpu.memory_space<semaphore_mem>> -> memref<!tpu.dma_semaphore, #tpu.memory_space<semaphore_mem>>
    tpu.enqueue_indirect_dma source(%dma_start3A_188 : memref<100000x128xf32, #tpu.memory_space<hbm>>) target(%dma_start3A_182 : memref<112x128xf32, #tpu.memory_space<vmem>>) offsets(%dma_start3A_185 : memref<112xi32, #tpu.memory_space<vmem>>) semaphore(%dma_start3A_190 : memref<!tpu.dma_semaphore, #tpu.memory_space<semaphore_mem>>)
    %add3A_191 = arith.constant 16 : i32
    %add3A_192 = arith.addi %min3A_3, %add3A_191 : i32
    %dma_wait3A_193 = arith.constant 1 : i32
    %dma_wait3A_194 = arith.constant 1 : i32
    %dma_wait3A_195 = arith.constant 0 : i32
    %dma_wait3A_196 = arith.constant 0 : i32
    %dma_wait3A_197 = tpu.memref_slice %arg5[%dma_wait3A_193, %dma_wait3A_195, %dma_wait3A_196] : memref<8x16x7xi32, #tpu.memory_space<vmem>> -> memref<1x16x7xi32, #tpu.memory_space<vmem>>
    %dma_wait3A_198 = tpu.memref_squeeze %dma_wait3A_197 : memref<1x16x7xi32, #tpu.memory_space<vmem>> -> memref<16x7xi32, #tpu.memory_space<vmem>>
    %dma_wait3A_199 = arith.constant 0 : i32
    %dma_wait3A_200 = tpu.memref_slice %arg3[%add3A_192, %dma_wait3A_199] : memref<25000x7xi32, #tpu.memory_space<hbm>> -> memref<16x7xi32, #tpu.memory_space<hbm>>
    %dma_wait3A_201 = tpu.memref_slice %arg9[%dma_wait3A_194] : memref<8x!tpu.dma_semaphore, #tpu.memory_space<semaphore_mem>> -> memref<1x!tpu.dma_semaphore, #tpu.memory_space<semaphore_mem>>
    %dma_wait3A_202 = tpu.memref_squeeze %dma_wait3A_201 : memref<1x!tpu.dma_semaphore, #tpu.memory_space<semaphore_mem>> -> memref<!tpu.dma_semaphore, #tpu.memory_space<semaphore_mem>>
    %dma_wait3A_203 = arith.constant 0 : i32
    %dma_wait3A_204 = arith.constant 0 : i32
    %dma_wait3A_205 = tpu.memref_slice %arg5[%dma_wait3A_193, %dma_wait3A_203, %dma_wait3A_204] : memref<8x16x7xi32, #tpu.memory_space<vmem>> -> memref<1x16x7xi32, #tpu.memory_space<vmem>>
    %dma_wait3A_206 = tpu.memref_squeeze %dma_wait3A_205 : memref<1x16x7xi32, #tpu.memory_space<vmem>> -> memref<16x7xi32, #tpu.memory_space<vmem>>
    %dma_wait3A_207 = arith.constant 0 : i32
    %dma_wait3A_208 = tpu.memref_slice %arg3[%add3A_192, %dma_wait3A_207] : memref<25000x7xi32, #tpu.memory_space<hbm>> -> memref<16x7xi32, #tpu.memory_space<hbm>>
    tpu.wait_dma2 semaphore(%dma_wait3A_202 : memref<!tpu.dma_semaphore, #tpu.memory_space<semaphore_mem>>) src(%dma_wait3A_208 : memref<16x7xi32, #tpu.memory_space<hbm>>) dst(%dma_wait3A_206 : memref<16x7xi32, #tpu.memory_space<vmem>>)
    %broadcast_in_dim3A_209 = arith.constant 1 : i32
    %broadcast_in_dim3A_210 = vector.broadcast %broadcast_in_dim3A_209 : i32 to vector<16xi32>
    %iota3A_211 = tpu.iota {dimensions = array<i32: 0>} : vector<16xi32>
    %broadcast_in_dim3A_212 = arith.constant 0 : i32
    %broadcast_in_dim3A_213 = vector.broadcast %broadcast_in_dim3A_212 : i32 to vector<16xi32>
    %gather3A_214 = tpu.vector_load_idx %arg5[%broadcast_in_dim3A_210, %iota3A_211, %broadcast_in_dim3A_213] : memref<8x16x7xi32, #tpu.memory_space<vmem>>[vector<16xi32>, vector<16xi32>, vector<16xi32>], vector<16xi32>,
    %swap3A_215 = arith.constant 1 : i32
    %swap3A_216 = arith.index_cast %swap3A_215 : i32 to index
    %swap3A_217 = arith.constant 0 : index
    %swap3A_218 = tpu.vector_load %arg6[%swap3A_216, %swap3A_217] {strides = array<i32>} : memref<4x112xi32, #tpu.memory_space<vmem>>, vector<16xi32>,
    tpu.vector_store %arg6[%swap3A_216, %swap3A_217], %gather3A_214 {strides = array<i32>} : memref<4x112xi32, #tpu.memory_space<vmem>>, vector<16xi32>,
    %broadcast_in_dim3A_219 = arith.constant 1 : i32
    %broadcast_in_dim3A_220 = vector.broadcast %broadcast_in_dim3A_219 : i32 to vector<16xi32>
    %gather3A_221 = tpu.vector_load_idx %arg5[%broadcast_in_dim3A_210, %iota3A_211, %broadcast_in_dim3A_220] : memref<8x16x7xi32, #tpu.memory_space<vmem>>[vector<16xi32>, vector<16xi32>, vector<16xi32>], vector<16xi32>,
    %swap3A_222 = arith.constant 1 : i32
    %swap3A_223 = arith.index_cast %swap3A_222 : i32 to index
    %swap3A_224 = arith.constant 16 : index
    %swap3A_225 = tpu.vector_load %arg6[%swap3A_223, %swap3A_224] {strides = array<i32>} : memref<4x112xi32, #tpu.memory_space<vmem>>, vector<16xi32>,
    tpu.vector_store %arg6[%swap3A_223, %swap3A_224], %gather3A_221 {strides = array<i32>} : memref<4x112xi32, #tpu.memory_space<vmem>>, vector<16xi32>,
    %broadcast_in_dim3A_226 = arith.constant 2 : i32
    %broadcast_in_dim3A_227 = vector.broadcast %broadcast_in_dim3A_226 : i32 to vector<16xi32>
    %gather3A_228 = tpu.vector_load_idx %arg5[%broadcast_in_dim3A_210, %iota3A_211, %broadcast_in_dim3A_227] : memref<8x16x7xi32, #tpu.memory_space<vmem>>[vector<16xi32>, vector<16xi32>, vector<16xi32>], vector<16xi32>,
    %swap3A_229 = arith.constant 1 : i32
    %swap3A_230 = arith.index_cast %swap3A_229 : i32 to index
    %swap3A_231 = arith.constant 32 : index
    %swap3A_232 = tpu.vector_load %arg6[%swap3A_230, %swap3A_231] {strides = array<i32>} : memref<4x112xi32, #tpu.memory_space<vmem>>, vector<16xi32>,
    tpu.vector_store %arg6[%swap3A_230, %swap3A_231], %gather3A_228 {strides = array<i32>} : memref<4x112xi32, #tpu.memory_space<vmem>>, vector<16xi32>,
    %broadcast_in_dim3A_233 = arith.constant 3 : i32
    %broadcast_in_dim3A_234 = vector.broadcast %broadcast_in_dim3A_233 : i32 to vector<16xi32>
    %gather3A_235 = tpu.vector_load_idx %arg5[%broadcast_in_dim3A_210, %iota3A_211, %broadcast_in_dim3A_234] : memref<8x16x7xi32, #tpu.memory_space<vmem>>[vector<16xi32>, vector<16xi32>, vector<16xi32>], vector<16xi32>,
    %swap3A_236 = arith.constant 1 : i32
    %swap3A_237 = arith.index_cast %swap3A_236 : i32 to index
    %swap3A_238 = arith.constant 48 : index
    %swap3A_239 = tpu.vector_load %arg6[%swap3A_237, %swap3A_238] {strides = array<i32>} : memref<4x112xi32, #tpu.memory_space<vmem>>, vector<16xi32>,
    tpu.vector_store %arg6[%swap3A_237, %swap3A_238], %gather3A_235 {strides = array<i32>} : memref<4x112xi32, #tpu.memory_space<vmem>>, vector<16xi32>,
    %broadcast_in_dim3A_240 = arith.constant 4 : i32
    %broadcast_in_dim3A_241 = vector.broadcast %broadcast_in_dim3A_240 : i32 to vector<16xi32>
    %gather3A_242 = tpu.vector_load_idx %arg5[%broadcast_in_dim3A_210, %iota3A_211, %broadcast_in_dim3A_241] : memref<8x16x7xi32, #tpu.memory_space<vmem>>[vector<16xi32>, vector<16xi32>, vector<16xi32>], vector<16xi32>,
    %swap3A_243 = arith.constant 1 : i32
    %swap3A_244 = arith.index_cast %swap3A_243 : i32 to index
    %swap3A_245 = arith.constant 64 : index
    %swap3A_246 = tpu.vector_load %arg6[%swap3A_244, %swap3A_245] {strides = array<i32>} : memref<4x112xi32, #tpu.memory_space<vmem>>, vector<16xi32>,
    tpu.vector_store %arg6[%swap3A_244, %swap3A_245], %gather3A_242 {strides = array<i32>} : memref<4x112xi32, #tpu.memory_space<vmem>>, vector<16xi32>,
    %broadcast_in_dim3A_247 = arith.constant 5 : i32
    %broadcast_in_dim3A_248 = vector.broadcast %broadcast_in_dim3A_247 : i32 to vector<16xi32>
    %gather3A_249 = tpu.vector_load_idx %arg5[%broadcast_in_dim3A_210, %iota3A_211, %broadcast_in_dim3A_248] : memref<8x16x7xi32, #tpu.memory_space<vmem>>[vector<16xi32>, vector<16xi32>, vector<16xi32>], vector<16xi32>,
    %swap3A_250 = arith.constant 1 : i32
    %swap3A_251 = arith.index_cast %swap3A_250 : i32 to index
    %swap3A_252 = arith.constant 80 : index
    %swap3A_253 = tpu.vector_load %arg6[%swap3A_251, %swap3A_252] {strides = array<i32>} : memref<4x112xi32, #tpu.memory_space<vmem>>, vector<16xi32>,
    tpu.vector_store %arg6[%swap3A_251, %swap3A_252], %gather3A_249 {strides = array<i32>} : memref<4x112xi32, #tpu.memory_space<vmem>>, vector<16xi32>,
    %broadcast_in_dim3A_254 = arith.constant 6 : i32
    %broadcast_in_dim3A_255 = vector.broadcast %broadcast_in_dim3A_254 : i32 to vector<16xi32>
    %gather3A_256 = tpu.vector_load_idx %arg5[%broadcast_in_dim3A_210, %iota3A_211, %broadcast_in_dim3A_255] : memref<8x16x7xi32, #tpu.memory_space<vmem>>[vector<16xi32>, vector<16xi32>, vector<16xi32>], vector<16xi32>,
    %swap3A_257 = arith.constant 1 : i32
    %swap3A_258 = arith.index_cast %swap3A_257 : i32 to index
    %swap3A_259 = arith.constant 96 : index
    %swap3A_260 = tpu.vector_load %arg6[%swap3A_258, %swap3A_259] {strides = array<i32>} : memref<4x112xi32, #tpu.memory_space<vmem>>, vector<16xi32>,
    tpu.vector_store %arg6[%swap3A_258, %swap3A_259], %gather3A_256 {strides = array<i32>} : memref<4x112xi32, #tpu.memory_space<vmem>>, vector<16xi32>,
    %dma_start3A_261 = arith.constant 1 : i32
    %dma_start3A_262 = arith.constant 1 : i32
    %dma_start3A_263 = arith.constant 1 : i32
    %dma_start3A_264 = arith.constant 0 : i32
    %dma_start3A_265 = arith.constant 0 : i32
    %dma_start3A_266 = tpu.memref_slice %arg7[%dma_start3A_262, %dma_start3A_264, %dma_start3A_265] : memref<4x112x128xf32, #tpu.memory_space<vmem>> -> memref<1x112x128xf32, #tpu.memory_space<vmem>>
    %dma_start3A_267 = tpu.memref_squeeze %dma_start3A_266 : memref<1x112x128xf32, #tpu.memory_space<vmem>> -> memref<112x128xf32, #tpu.memory_space<vmem>>
    %dma_start3A_268 = arith.constant 0 : i32
    %dma_start3A_269 = tpu.memref_slice %arg6[%dma_start3A_261, %dma_start3A_268] : memref<4x112xi32, #tpu.memory_space<vmem>> -> memref<1x112xi32, #tpu.memory_space<vmem>>
    %dma_start3A_270 = tpu.memref_squeeze %dma_start3A_269 : memref<1x112xi32, #tpu.memory_space<vmem>> -> memref<112xi32, #tpu.memory_space<vmem>>
    %dma_start3A_271 = arith.constant 0 : i32
    %dma_start3A_272 = arith.constant 0 : i32
    %dma_start3A_273 = tpu.memref_slice %arg2[%dma_start3A_271, %dma_start3A_272] : memref<100000x128xf32, #tpu.memory_space<hbm>> -> memref<100000x128xf32, #tpu.memory_space<hbm>>
    %dma_start3A_274 = tpu.memref_slice %arg10[%dma_start3A_263] : memref<4x!tpu.dma_semaphore, #tpu.memory_space<semaphore_mem>> -> memref<1x!tpu.dma_semaphore, #tpu.memory_space<semaphore_mem>>
    %dma_start3A_275 = tpu.memref_squeeze %dma_start3A_274 : memref<1x!tpu.dma_semaphore, #tpu.memory_space<semaphore_mem>> -> memref<!tpu.dma_semaphore, #tpu.memory_space<semaphore_mem>>
    tpu.enqueue_indirect_dma source(%dma_start3A_273 : memref<100000x128xf32, #tpu.memory_space<hbm>>) target(%dma_start3A_267 : memref<112x128xf32, #tpu.memory_space<vmem>>) offsets(%dma_start3A_270 : memref<112xi32, #tpu.memory_space<vmem>>) semaphore(%dma_start3A_275 : memref<!tpu.dma_semaphore, #tpu.memory_space<semaphore_mem>>)
    %add3A_276 = arith.constant 32 : i32
    %add3A_277 = arith.addi %min3A_3, %add3A_276 : i32
    %dma_wait3A_278 = arith.constant 2 : i32
    %dma_wait3A_279 = arith.constant 2 : i32
    %dma_wait3A_280 = arith.constant 0 : i32
    %dma_wait3A_281 = arith.constant 0 : i32
    %dma_wait3A_282 = tpu.memref_slice %arg5[%dma_wait3A_278, %dma_wait3A_280, %dma_wait3A_281] : memref<8x16x7xi32, #tpu.memory_space<vmem>> -> memref<1x16x7xi32, #tpu.memory_space<vmem>>
    %dma_wait3A_283 = tpu.memref_squeeze %dma_wait3A_282 : memref<1x16x7xi32, #tpu.memory_space<vmem>> -> memref<16x7xi32, #tpu.memory_space<vmem>>
    %dma_wait3A_284 = arith.constant 0 : i32
    %dma_wait3A_285 = tpu.memref_slice %arg3[%add3A_277, %dma_wait3A_284] : memref<25000x7xi32, #tpu.memory_space<hbm>> -> memref<16x7xi32, #tpu.memory_space<hbm>>
    %dma_wait3A_286 = tpu.memref_slice %arg9[%dma_wait3A_279] : memref<8x!tpu.dma_semaphore, #tpu.memory_space<semaphore_mem>> -> memref<1x!tpu.dma_semaphore, #tpu.memory_space<semaphore_mem>>
    %dma_wait3A_287 = tpu.memref_squeeze %dma_wait3A_286 : memref<1x!tpu.dma_semaphore, #tpu.memory_space<semaphore_mem>> -> memref<!tpu.dma_semaphore, #tpu.memory_space<semaphore_mem>>
    %dma_wait3A_288 = arith.constant 0 : i32
    %dma_wait3A_289 = arith.constant 0 : i32
    %dma_wait3A_290 = tpu.memref_slice %arg5[%dma_wait3A_278, %dma_wait3A_288, %dma_wait3A_289] : memref<8x16x7xi32, #tpu.memory_space<vmem>> -> memref<1x16x7xi32, #tpu.memory_space<vmem>>
    %dma_wait3A_291 = tpu.memref_squeeze %dma_wait3A_290 : memref<1x16x7xi32, #tpu.memory_space<vmem>> -> memref<16x7xi32, #tpu.memory_space<vmem>>
    %dma_wait3A_292 = arith.constant 0 : i32
    %dma_wait3A_293 = tpu.memref_slice %arg3[%add3A_277, %dma_wait3A_292] : memref<25000x7xi32, #tpu.memory_space<hbm>> -> memref<16x7xi32, #tpu.memory_space<hbm>>
    tpu.wait_dma2 semaphore(%dma_wait3A_287 : memref<!tpu.dma_semaphore, #tpu.memory_space<semaphore_mem>>) src(%dma_wait3A_293 : memref<16x7xi32, #tpu.memory_space<hbm>>) dst(%dma_wait3A_291 : memref<16x7xi32, #tpu.memory_space<vmem>>)
    %broadcast_in_dim3A_294 = arith.constant 2 : i32
    %broadcast_in_dim3A_295 = vector.broadcast %broadcast_in_dim3A_294 : i32 to vector<16xi32>
    %iota3A_296 = tpu.iota {dimensions = array<i32: 0>} : vector<16xi32>
    %broadcast_in_dim3A_297 = arith.constant 0 : i32
    %broadcast_in_dim3A_298 = vector.broadcast %broadcast_in_dim3A_297 : i32 to vector<16xi32>
    %gather3A_299 = tpu.vector_load_idx %arg5[%broadcast_in_dim3A_295, %iota3A_296, %broadcast_in_dim3A_298] : memref<8x16x7xi32, #tpu.memory_space<vmem>>[vector<16xi32>, vector<16xi32>, vector<16xi32>], vector<16xi32>,
    %swap3A_300 = arith.constant 2 : i32
    %swap3A_301 = arith.index_cast %swap3A_300 : i32 to index
    %swap3A_302 = arith.constant 0 : index
    %swap3A_303 = tpu.vector_load %arg6[%swap3A_301, %swap3A_302] {strides = array<i32>} : memref<4x112xi32, #tpu.memory_space<vmem>>, vector<16xi32>,
    tpu.vector_store %arg6[%swap3A_301, %swap3A_302], %gather3A_299 {strides = array<i32>} : memref<4x112xi32, #tpu.memory_space<vmem>>, vector<16xi32>,
    %broadcast_in_dim3A_304 = arith.constant 1 : i32
    %broadcast_in_dim3A_305 = vector.broadcast %broadcast_in_dim3A_304 : i32 to vector<16xi32>
    %gather3A_306 = tpu.vector_load_idx %arg5[%broadcast_in_dim3A_295, %iota3A_296, %broadcast_in_dim3A_305] : memref<8x16x7xi32, #tpu.memory_space<vmem>>[vector<16xi32>, vector<16xi32>, vector<16xi32>], vector<16xi32>,
    %swap3A_307 = arith.constant 2 : i32
    %swap3A_308 = arith.index_cast %swap3A_307 : i32 to index
    %swap3A_309 = arith.constant 16 : index
    %swap3A_310 = tpu.vector_load %arg6[%swap3A_308, %swap3A_309] {strides = array<i32>} : memref<4x112xi32, #tpu.memory_space<vmem>>, vector<16xi32>,
    tpu.vector_store %arg6[%swap3A_308, %swap3A_309], %gather3A_306 {strides = array<i32>} : memref<4x112xi32, #tpu.memory_space<vmem>>, vector<16xi32>,
    %broadcast_in_dim3A_311 = arith.constant 2 : i32
    %broadcast_in_dim3A_312 = vector.broadcast %broadcast_in_dim3A_311 : i32 to vector<16xi32>
    %gather3A_313 = tpu.vector_load_idx %arg5[%broadcast_in_dim3A_295, %iota3A_296, %broadcast_in_dim3A_312] : memref<8x16x7xi32, #tpu.memory_space<vmem>>[vector<16xi32>, vector<16xi32>, vector<16xi32>], vector<16xi32>,
    %swap3A_314 = arith.constant 2 : i32
    %swap3A_315 = arith.index_cast %swap3A_314 : i32 to index
    %swap3A_316 = arith.constant 32 : index
    %swap3A_317 = tpu.vector_load %arg6[%swap3A_315, %swap3A_316] {strides = array<i32>} : memref<4x112xi32, #tpu.memory_space<vmem>>, vector<16xi32>,
    tpu.vector_store %arg6[%swap3A_315, %swap3A_316], %gather3A_313 {strides = array<i32>} : memref<4x112xi32, #tpu.memory_space<vmem>>, vector<16xi32>,
    %broadcast_in_dim3A_318 = arith.constant 3 : i32
    %broadcast_in_dim3A_319 = vector.broadcast %broadcast_in_dim3A_318 : i32 to vector<16xi32>
    %gather3A_320 = tpu.vector_load_idx %arg5[%broadcast_in_dim3A_295, %iota3A_296, %broadcast_in_dim3A_319] : memref<8x16x7xi32, #tpu.memory_space<vmem>>[vector<16xi32>, vector<16xi32>, vector<16xi32>], vector<16xi32>,
    %swap3A_321 = arith.constant 2 : i32
    %swap3A_322 = arith.index_cast %swap3A_321 : i32 to index
    %swap3A_323 = arith.constant 48 : index
    %swap3A_324 = tpu.vector_load %arg6[%swap3A_322, %swap3A_323] {strides = array<i32>} : memref<4x112xi32, #tpu.memory_space<vmem>>, vector<16xi32>,
    tpu.vector_store %arg6[%swap3A_322, %swap3A_323], %gather3A_320 {strides = array<i32>} : memref<4x112xi32, #tpu.memory_space<vmem>>, vector<16xi32>,
    %broadcast_in_dim3A_325 = arith.constant 4 : i32
    %broadcast_in_dim3A_326 = vector.broadcast %broadcast_in_dim3A_325 : i32 to vector<16xi32>
    %gather3A_327 = tpu.vector_load_idx %arg5[%broadcast_in_dim3A_295, %iota3A_296, %broadcast_in_dim3A_326] : memref<8x16x7xi32, #tpu.memory_space<vmem>>[vector<16xi32>, vector<16xi32>, vector<16xi32>], vector<16xi32>,
    %swap3A_328 = arith.constant 2 : i32
    %swap3A_329 = arith.index_cast %swap3A_328 : i32 to index
    %swap3A_330 = arith.constant 64 : index
    %swap3A_331 = tpu.vector_load %arg6[%swap3A_329, %swap3A_330] {strides = array<i32>} : memref<4x112xi32, #tpu.memory_space<vmem>>, vector<16xi32>,
    tpu.vector_store %arg6[%swap3A_329, %swap3A_330], %gather3A_327 {strides = array<i32>} : memref<4x112xi32, #tpu.memory_space<vmem>>, vector<16xi32>,
    %broadcast_in_dim3A_332 = arith.constant 5 : i32
    %broadcast_in_dim3A_333 = vector.broadcast %broadcast_in_dim3A_332 : i32 to vector<16xi32>
    %gather3A_334 = tpu.vector_load_idx %arg5[%broadcast_in_dim3A_295, %iota3A_296, %broadcast_in_dim3A_333] : memref<8x16x7xi32, #tpu.memory_space<vmem>>[vector<16xi32>, vector<16xi32>, vector<16xi32>], vector<16xi32>,
    %swap3A_335 = arith.constant 2 : i32
    %swap3A_336 = arith.index_cast %swap3A_335 : i32 to index
    %swap3A_337 = arith.constant 80 : index
    %swap3A_338 = tpu.vector_load %arg6[%swap3A_336, %swap3A_337] {strides = array<i32>} : memref<4x112xi32, #tpu.memory_space<vmem>>, vector<16xi32>,
    tpu.vector_store %arg6[%swap3A_336, %swap3A_337], %gather3A_334 {strides = array<i32>} : memref<4x112xi32, #tpu.memory_space<vmem>>, vector<16xi32>,
    %broadcast_in_dim3A_339 = arith.constant 6 : i32
    %broadcast_in_dim3A_340 = vector.broadcast %broadcast_in_dim3A_339 : i32 to vector<16xi32>
    %gather3A_341 = tpu.vector_load_idx %arg5[%broadcast_in_dim3A_295, %iota3A_296, %broadcast_in_dim3A_340] : memref<8x16x7xi32, #tpu.memory_space<vmem>>[vector<16xi32>, vector<16xi32>, vector<16xi32>], vector<16xi32>,
    %swap3A_342 = arith.constant 2 : i32
    %swap3A_343 = arith.index_cast %swap3A_342 : i32 to index
    %swap3A_344 = arith.constant 96 : index
    %swap3A_345 = tpu.vector_load %arg6[%swap3A_343, %swap3A_344] {strides = array<i32>} : memref<4x112xi32, #tpu.memory_space<vmem>>, vector<16xi32>,
    tpu.vector_store %arg6[%swap3A_343, %swap3A_344], %gather3A_341 {strides = array<i32>} : memref<4x112xi32, #tpu.memory_space<vmem>>, vector<16xi32>,
    %dma_start3A_346 = arith.constant 2 : i32
    %dma_start3A_347 = arith.constant 2 : i32
    %dma_start3A_348 = arith.constant 2 : i32
    %dma_start3A_349 = arith.constant 0 : i32
    %dma_start3A_350 = arith.constant 0 : i32
    %dma_start3A_351 = tpu.memref_slice %arg7[%dma_start3A_347, %dma_start3A_349, %dma_start3A_350] : memref<4x112x128xf32, #tpu.memory_space<vmem>> -> memref<1x112x128xf32, #tpu.memory_space<vmem>>
    %dma_start3A_352 = tpu.memref_squeeze %dma_start3A_351 : memref<1x112x128xf32, #tpu.memory_space<vmem>> -> memref<112x128xf32, #tpu.memory_space<vmem>>
    %dma_start3A_353 = arith.constant 0 : i32
    %dma_start3A_354 = tpu.memref_slice %arg6[%dma_start3A_346, %dma_start3A_353] : memref<4x112xi32, #tpu.memory_space<vmem>> -> memref<1x112xi32, #tpu.memory_space<vmem>>
    %dma_start3A_355 = tpu.memref_squeeze %dma_start3A_354 : memref<1x112xi32, #tpu.memory_space<vmem>> -> memref<112xi32, #tpu.memory_space<vmem>>
    %dma_start3A_356 = arith.constant 0 : i32
    %dma_start3A_357 = arith.constant 0 : i32
    %dma_start3A_358 = tpu.memref_slice %arg2[%dma_start3A_356, %dma_start3A_357] : memref<100000x128xf32, #tpu.memory_space<hbm>> -> memref<100000x128xf32, #tpu.memory_space<hbm>>
    %dma_start3A_359 = tpu.memref_slice %arg10[%dma_start3A_348] : memref<4x!tpu.dma_semaphore, #tpu.memory_space<semaphore_mem>> -> memref<1x!tpu.dma_semaphore, #tpu.memory_space<semaphore_mem>>
    %dma_start3A_360 = tpu.memref_squeeze %dma_start3A_359 : memref<1x!tpu.dma_semaphore, #tpu.memory_space<semaphore_mem>> -> memref<!tpu.dma_semaphore, #tpu.memory_space<semaphore_mem>>
    tpu.enqueue_indirect_dma source(%dma_start3A_358 : memref<100000x128xf32, #tpu.memory_space<hbm>>) target(%dma_start3A_352 : memref<112x128xf32, #tpu.memory_space<vmem>>) offsets(%dma_start3A_355 : memref<112xi32, #tpu.memory_space<vmem>>) semaphore(%dma_start3A_360 : memref<!tpu.dma_semaphore, #tpu.memory_space<semaphore_mem>>)
    %scan3A = arith.constant 0 : i32
    %scan3A_361 = arith.constant 0 : i32
    %scan3A_362 = arith.constant 49 : i32
    %scan3A_363 = arith.addi %scan3A_361, %scan3A_362 : i32
    %scan3A_364 = arith.constant 1 : i32
    scf.for %scan3A_438 = %scan3A_361 to %scan3A_363 step %scan3A_364  : i32 {
      %rem3A = arith.constant 4 : i32
      %rem3A_439 = arith.remsi %scan3A_438, %rem3A : i32
      %add3A_440 = arith.constant 4 : i32
      %add3A_441 = arith.addi %scan3A_438, %add3A_440 : i32
      %add3A_442 = arith.constant 2 : i32
      %add3A_443 = arith.addi %add3A_441, %add3A_442 : i32
      %lt3A = arith.constant 49 : i32
      %lt3A_444 = arith.cmpi slt, %add3A_443, %lt3A : i32
      %convert_element_type3A = arith.extui %lt3A_444 : i1 to i32
      %cond3A = arith.constant 0 : i32
      %cond3A_445 = arith.cmpi ne, %convert_element_type3A, %cond3A : i32
      scf.if %cond3A_445 {
        %add3A_493 = arith.constant 4 : i32
        %add3A_494 = arith.addi %scan3A_438, %add3A_493 : i32
        %add3A_495 = arith.constant 2 : i32
        %add3A_496 = arith.addi %add3A_494, %add3A_495 : i32
        %add3A_497 = arith.constant 4 : i32
        %add3A_498 = arith.addi %scan3A_438, %add3A_497 : i32
        %add3A_499 = arith.constant 2 : i32
        %add3A_500 = arith.addi %add3A_498, %add3A_499 : i32
        %rem3A_501 = arith.constant 8 : i32
        %rem3A_502 = arith.remsi %add3A_500, %rem3A_501 : i32
        %mul3A_503 = arith.constant 16 : i32
        %mul3A_504 = arith.muli %add3A_496, %mul3A_503 : i32
        %add3A_505 = arith.addi %min3A_3, %mul3A_504 : i32
        %dma_start3A_506 = arith.constant 0 : i32
        %dma_start3A_507 = arith.constant 0 : i32
        %dma_start3A_508 = tpu.memref_slice %arg5[%rem3A_502, %dma_start3A_506, %dma_start3A_507] : memref<8x16x7xi32, #tpu.memory_space<vmem>> -> memref<1x16x7xi32, #tpu.memory_space<vmem>>
        %dma_start3A_509 = tpu.memref_squeeze %dma_start3A_508 : memref<1x16x7xi32, #tpu.memory_space<vmem>> -> memref<16x7xi32, #tpu.memory_space<vmem>>
        %dma_start3A_510 = arith.constant 0 : i32
        %dma_start3A_511 = tpu.memref_slice %arg3[%add3A_505, %dma_start3A_510] : memref<25000x7xi32, #tpu.memory_space<hbm>> -> memref<16x7xi32, #tpu.memory_space<hbm>>
        %dma_start3A_512 = tpu.memref_slice %arg9[%rem3A_502] : memref<8x!tpu.dma_semaphore, #tpu.memory_space<semaphore_mem>> -> memref<1x!tpu.dma_semaphore, #tpu.memory_space<semaphore_mem>>
        %dma_start3A_513 = tpu.memref_squeeze %dma_start3A_512 : memref<1x!tpu.dma_semaphore, #tpu.memory_space<semaphore_mem>> -> memref<!tpu.dma_semaphore, #tpu.memory_space<semaphore_mem>>
        %dma_start3A_514 = arith.constant 0 : i32
        %dma_start3A_515 = arith.constant 0 : i32
        %dma_start3A_516 = tpu.memref_slice %arg5[%rem3A_502, %dma_start3A_514, %dma_start3A_515] : memref<8x16x7xi32, #tpu.memory_space<vmem>> -> memref<1x16x7xi32, #tpu.memory_space<vmem>>
        %dma_start3A_517 = tpu.memref_squeeze %dma_start3A_516 : memref<1x16x7xi32, #tpu.memory_space<vmem>> -> memref<16x7xi32, #tpu.memory_space<vmem>>
        %dma_start3A_518 = arith.constant 0 : i32
        %dma_start3A_519 = tpu.memref_slice %arg3[%add3A_505, %dma_start3A_518] : memref<25000x7xi32, #tpu.memory_space<hbm>> -> memref<16x7xi32, #tpu.memory_space<hbm>>
        tpu.enqueue_dma source(%dma_start3A_519 : memref<16x7xi32, #tpu.memory_space<hbm>>) target(%dma_start3A_517 : memref<16x7xi32, #tpu.memory_space<vmem>>) target_semaphore(%dma_start3A_513 : memref<!tpu.dma_semaphore, #tpu.memory_space<semaphore_mem>>)
      } else {
      }
      %add3A_446 = arith.constant 4 : i32
      %add3A_447 = arith.addi %scan3A_438, %add3A_446 : i32
      %sub3A = arith.constant 1 : i32
      %sub3A_448 = arith.subi %add3A_447, %sub3A : i32
      %lt3A_449 = arith.constant 49 : i32
      %lt3A_450 = arith.cmpi slt, %sub3A_448, %lt3A_449 : i32
      %convert_element_type3A_451 = arith.extui %lt3A_450 : i1 to i32
      %cond3A_452 = arith.constant 0 : i32
      %cond3A_453 = arith.cmpi ne, %convert_element_type3A_451, %cond3A_452 : i32
      scf.if %cond3A_453 {
        %add3A_493 = arith.constant 4 : i32
        %add3A_494 = arith.addi %scan3A_438, %add3A_493 : i32
        %sub3A_495 = arith.constant 1 : i32
        %sub3A_496 = arith.subi %add3A_494, %sub3A_495 : i32
        %rem3A_497 = arith.constant 8 : i32
        %rem3A_498 = arith.remsi %sub3A_496, %rem3A_497 : i32
        %rem3A_499 = arith.constant 4 : i32
        %rem3A_500 = arith.remsi %sub3A_496, %rem3A_499 : i32
        %mul3A_501 = arith.constant 16 : i32
        %mul3A_502 = arith.muli %sub3A_496, %mul3A_501 : i32
        %add3A_503 = arith.addi %min3A_3, %mul3A_502 : i32
        %dma_wait3A_504 = arith.constant 0 : i32
        %dma_wait3A_505 = arith.constant 0 : i32
        %dma_wait3A_506 = tpu.memref_slice %arg5[%rem3A_498, %dma_wait3A_504, %dma_wait3A_505] : memref<8x16x7xi32, #tpu.memory_space<vmem>> -> memref<1x16x7xi32, #tpu.memory_space<vmem>>
        %dma_wait3A_507 = tpu.memref_squeeze %dma_wait3A_506 : memref<1x16x7xi32, #tpu.memory_space<vmem>> -> memref<16x7xi32, #tpu.memory_space<vmem>>
        %dma_wait3A_508 = arith.constant 0 : i32
        %dma_wait3A_509 = tpu.memref_slice %arg3[%add3A_503, %dma_wait3A_508] : memref<25000x7xi32, #tpu.memory_space<hbm>> -> memref<16x7xi32, #tpu.memory_space<hbm>>
        %dma_wait3A_510 = tpu.memref_slice %arg9[%rem3A_498] : memref<8x!tpu.dma_semaphore, #tpu.memory_space<semaphore_mem>> -> memref<1x!tpu.dma_semaphore, #tpu.memory_space<semaphore_mem>>
        %dma_wait3A_511 = tpu.memref_squeeze %dma_wait3A_510 : memref<1x!tpu.dma_semaphore, #tpu.memory_space<semaphore_mem>> -> memref<!tpu.dma_semaphore, #tpu.memory_space<semaphore_mem>>
        %dma_wait3A_512 = arith.constant 0 : i32
        %dma_wait3A_513 = arith.constant 0 : i32
        %dma_wait3A_514 = tpu.memref_slice %arg5[%rem3A_498, %dma_wait3A_512, %dma_wait3A_513] : memref<8x16x7xi32, #tpu.memory_space<vmem>> -> memref<1x16x7xi32, #tpu.memory_space<vmem>>
        %dma_wait3A_515 = tpu.memref_squeeze %dma_wait3A_514 : memref<1x16x7xi32, #tpu.memory_space<vmem>> -> memref<16x7xi32, #tpu.memory_space<vmem>>
        %dma_wait3A_516 = arith.constant 0 : i32
        %dma_wait3A_517 = tpu.memref_slice %arg3[%add3A_503, %dma_wait3A_516] : memref<25000x7xi32, #tpu.memory_space<hbm>> -> memref<16x7xi32, #tpu.memory_space<hbm>>
        tpu.wait_dma2 semaphore(%dma_wait3A_511 : memref<!tpu.dma_semaphore, #tpu.memory_space<semaphore_mem>>) src(%dma_wait3A_517 : memref<16x7xi32, #tpu.memory_space<hbm>>) dst(%dma_wait3A_515 : memref<16x7xi32, #tpu.memory_space<vmem>>)
        %broadcast_in_dim3A_518 = vector.broadcast %rem3A_498 : i32 to vector<16xi32>
        %iota3A_519 = tpu.iota {dimensions = array<i32: 0>} : vector<16xi32>
        %broadcast_in_dim3A_520 = arith.constant 0 : i32
        %broadcast_in_dim3A_521 = vector.broadcast %broadcast_in_dim3A_520 : i32 to vector<16xi32>
        %gather3A_522 = tpu.vector_load_idx %arg5[%broadcast_in_dim3A_518, %iota3A_519, %broadcast_in_dim3A_521] : memref<8x16x7xi32, #tpu.memory_space<vmem>>[vector<16xi32>, vector<16xi32>, vector<16xi32>], vector<16xi32>,
        %swap3A_523 = arith.index_cast %rem3A_500 : i32 to index
        %swap3A_524 = arith.constant 0 : index
        %swap3A_525 = tpu.vector_load %arg6[%swap3A_523, %swap3A_524] {strides = array<i32>} : memref<4x112xi32, #tpu.memory_space<vmem>>, vector<16xi32>,
        tpu.vector_store %arg6[%swap3A_523, %swap3A_524], %gather3A_522 {strides = array<i32>} : memref<4x112xi32, #tpu.memory_space<vmem>>, vector<16xi32>,
        %broadcast_in_dim3A_526 = arith.constant 1 : i32
        %broadcast_in_dim3A_527 = vector.broadcast %broadcast_in_dim3A_526 : i32 to vector<16xi32>
        %gather3A_528 = tpu.vector_load_idx %arg5[%broadcast_in_dim3A_518, %iota3A_519, %broadcast_in_dim3A_527] : memref<8x16x7xi32, #tpu.memory_space<vmem>>[vector<16xi32>, vector<16xi32>, vector<16xi32>], vector<16xi32>,
        %swap3A_529 = arith.index_cast %rem3A_500 : i32 to index
        %swap3A_530 = arith.constant 16 : index
        %swap3A_531 = tpu.vector_load %arg6[%swap3A_529, %swap3A_530] {strides = array<i32>} : memref<4x112xi32, #tpu.memory_space<vmem>>, vector<16xi32>,
        tpu.vector_store %arg6[%swap3A_529, %swap3A_530], %gather3A_528 {strides = array<i32>} : memref<4x112xi32, #tpu.memory_space<vmem>>, vector<16xi32>,
        %broadcast_in_dim3A_532 = arith.constant 2 : i32
        %broadcast_in_dim3A_533 = vector.broadcast %broadcast_in_dim3A_532 : i32 to vector<16xi32>
        %gather3A_534 = tpu.vector_load_idx %arg5[%broadcast_in_dim3A_518, %iota3A_519, %broadcast_in_dim3A_533] : memref<8x16x7xi32, #tpu.memory_space<vmem>>[vector<16xi32>, vector<16xi32>, vector<16xi32>], vector<16xi32>,
        %swap3A_535 = arith.index_cast %rem3A_500 : i32 to index
        %swap3A_536 = arith.constant 32 : index
        %swap3A_537 = tpu.vector_load %arg6[%swap3A_535, %swap3A_536] {strides = array<i32>} : memref<4x112xi32, #tpu.memory_space<vmem>>, vector<16xi32>,
        tpu.vector_store %arg6[%swap3A_535, %swap3A_536], %gather3A_534 {strides = array<i32>} : memref<4x112xi32, #tpu.memory_space<vmem>>, vector<16xi32>,
        %broadcast_in_dim3A_538 = arith.constant 3 : i32
        %broadcast_in_dim3A_539 = vector.broadcast %broadcast_in_dim3A_538 : i32 to vector<16xi32>
        %gather3A_540 = tpu.vector_load_idx %arg5[%broadcast_in_dim3A_518, %iota3A_519, %broadcast_in_dim3A_539] : memref<8x16x7xi32, #tpu.memory_space<vmem>>[vector<16xi32>, vector<16xi32>, vector<16xi32>], vector<16xi32>,
        %swap3A_541 = arith.index_cast %rem3A_500 : i32 to index
        %swap3A_542 = arith.constant 48 : index
        %swap3A_543 = tpu.vector_load %arg6[%swap3A_541, %swap3A_542] {strides = array<i32>} : memref<4x112xi32, #tpu.memory_space<vmem>>, vector<16xi32>,
        tpu.vector_store %arg6[%swap3A_541, %swap3A_542], %gather3A_540 {strides = array<i32>} : memref<4x112xi32, #tpu.memory_space<vmem>>, vector<16xi32>,
        %broadcast_in_dim3A_544 = arith.constant 4 : i32
        %broadcast_in_dim3A_545 = vector.broadcast %broadcast_in_dim3A_544 : i32 to vector<16xi32>
        %gather3A_546 = tpu.vector_load_idx %arg5[%broadcast_in_dim3A_518, %iota3A_519, %broadcast_in_dim3A_545] : memref<8x16x7xi32, #tpu.memory_space<vmem>>[vector<16xi32>, vector<16xi32>, vector<16xi32>], vector<16xi32>,
        %swap3A_547 = arith.index_cast %rem3A_500 : i32 to index
        %swap3A_548 = arith.constant 64 : index
        %swap3A_549 = tpu.vector_load %arg6[%swap3A_547, %swap3A_548] {strides = array<i32>} : memref<4x112xi32, #tpu.memory_space<vmem>>, vector<16xi32>,
        tpu.vector_store %arg6[%swap3A_547, %swap3A_548], %gather3A_546 {strides = array<i32>} : memref<4x112xi32, #tpu.memory_space<vmem>>, vector<16xi32>,
        %broadcast_in_dim3A_550 = arith.constant 5 : i32
        %broadcast_in_dim3A_551 = vector.broadcast %broadcast_in_dim3A_550 : i32 to vector<16xi32>
        %gather3A_552 = tpu.vector_load_idx %arg5[%broadcast_in_dim3A_518, %iota3A_519, %broadcast_in_dim3A_551] : memref<8x16x7xi32, #tpu.memory_space<vmem>>[vector<16xi32>, vector<16xi32>, vector<16xi32>], vector<16xi32>,
        %swap3A_553 = arith.index_cast %rem3A_500 : i32 to index
        %swap3A_554 = arith.constant 80 : index
        %swap3A_555 = tpu.vector_load %arg6[%swap3A_553, %swap3A_554] {strides = array<i32>} : memref<4x112xi32, #tpu.memory_space<vmem>>, vector<16xi32>,
        tpu.vector_store %arg6[%swap3A_553, %swap3A_554], %gather3A_552 {strides = array<i32>} : memref<4x112xi32, #tpu.memory_space<vmem>>, vector<16xi32>,
        %broadcast_in_dim3A_556 = arith.constant 6 : i32
        %broadcast_in_dim3A_557 = vector.broadcast %broadcast_in_dim3A_556 : i32 to vector<16xi32>
        %gather3A_558 = tpu.vector_load_idx %arg5[%broadcast_in_dim3A_518, %iota3A_519, %broadcast_in_dim3A_557] : memref<8x16x7xi32, #tpu.memory_space<vmem>>[vector<16xi32>, vector<16xi32>, vector<16xi32>], vector<16xi32>,
        %swap3A_559 = arith.index_cast %rem3A_500 : i32 to index
        %swap3A_560 = arith.constant 96 : index
        %swap3A_561 = tpu.vector_load %arg6[%swap3A_559, %swap3A_560] {strides = array<i32>} : memref<4x112xi32, #tpu.memory_space<vmem>>, vector<16xi32>,
        tpu.vector_store %arg6[%swap3A_559, %swap3A_560], %gather3A_558 {strides = array<i32>} : memref<4x112xi32, #tpu.memory_space<vmem>>, vector<16xi32>,
        %dma_start3A_562 = arith.constant 0 : i32
        %dma_start3A_563 = arith.constant 0 : i32
        %dma_start3A_564 = tpu.memref_slice %arg7[%rem3A_500, %dma_start3A_562, %dma_start3A_563] : memref<4x112x128xf32, #tpu.memory_space<vmem>> -> memref<1x112x128xf32, #tpu.memory_space<vmem>>
        %dma_start3A_565 = tpu.memref_squeeze %dma_start3A_564 : memref<1x112x128xf32, #tpu.memory_space<vmem>> -> memref<112x128xf32, #tpu.memory_space<vmem>>
        %dma_start3A_566 = arith.constant 0 : i32
        %dma_start3A_567 = tpu.memref_slice %arg6[%rem3A_500, %dma_start3A_566] : memref<4x112xi32, #tpu.memory_space<vmem>> -> memref<1x112xi32, #tpu.memory_space<vmem>>
        %dma_start3A_568 = tpu.memref_squeeze %dma_start3A_567 : memref<1x112xi32, #tpu.memory_space<vmem>> -> memref<112xi32, #tpu.memory_space<vmem>>
        %dma_start3A_569 = arith.constant 0 : i32
        %dma_start3A_570 = arith.constant 0 : i32
        %dma_start3A_571 = tpu.memref_slice %arg2[%dma_start3A_569, %dma_start3A_570] : memref<100000x128xf32, #tpu.memory_space<hbm>> -> memref<100000x128xf32, #tpu.memory_space<hbm>>
        %dma_start3A_572 = tpu.memref_slice %arg10[%rem3A_500] : memref<4x!tpu.dma_semaphore, #tpu.memory_space<semaphore_mem>> -> memref<1x!tpu.dma_semaphore, #tpu.memory_space<semaphore_mem>>
        %dma_start3A_573 = tpu.memref_squeeze %dma_start3A_572 : memref<1x!tpu.dma_semaphore, #tpu.memory_space<semaphore_mem>> -> memref<!tpu.dma_semaphore, #tpu.memory_space<semaphore_mem>>
        tpu.enqueue_indirect_dma source(%dma_start3A_571 : memref<100000x128xf32, #tpu.memory_space<hbm>>) target(%dma_start3A_565 : memref<112x128xf32, #tpu.memory_space<vmem>>) offsets(%dma_start3A_568 : memref<112xi32, #tpu.memory_space<vmem>>) semaphore(%dma_start3A_573 : memref<!tpu.dma_semaphore, #tpu.memory_space<semaphore_mem>>)
      } else {
      }
      %dma_wait3A_454 = arith.constant 0 : i32
      %dma_wait3A_455 = arith.constant 0 : i32
      %dma_wait3A_456 = tpu.memref_slice %arg7[%rem3A_439, %dma_wait3A_454, %dma_wait3A_455] : memref<4x112x128xf32, #tpu.memory_space<vmem>> -> memref<1x112x128xf32, #tpu.memory_space<vmem>>
      %dma_wait3A_457 = tpu.memref_squeeze %dma_wait3A_456 : memref<1x112x128xf32, #tpu.memory_space<vmem>> -> memref<112x128xf32, #tpu.memory_space<vmem>>
      %dma_wait3A_458 = arith.constant 0 : i32
      %dma_wait3A_459 = tpu.memref_slice %arg6[%rem3A_439, %dma_wait3A_458] : memref<4x112xi32, #tpu.memory_space<vmem>> -> memref<1x112xi32, #tpu.memory_space<vmem>>
      %dma_wait3A_460 = tpu.memref_squeeze %dma_wait3A_459 : memref<1x112xi32, #tpu.memory_space<vmem>> -> memref<112xi32, #tpu.memory_space<vmem>>
      %dma_wait3A_461 = arith.constant 0 : i32
      %dma_wait3A_462 = arith.constant 0 : i32
      %dma_wait3A_463 = tpu.memref_slice %arg2[%dma_wait3A_461, %dma_wait3A_462] : memref<100000x128xf32, #tpu.memory_space<hbm>> -> memref<100000x128xf32, #tpu.memory_space<hbm>>
      %dma_wait3A_464 = tpu.memref_slice %arg10[%rem3A_439] : memref<4x!tpu.dma_semaphore, #tpu.memory_space<semaphore_mem>> -> memref<1x!tpu.dma_semaphore, #tpu.memory_space<semaphore_mem>>
      %dma_wait3A_465 = tpu.memref_squeeze %dma_wait3A_464 : memref<1x!tpu.dma_semaphore, #tpu.memory_space<semaphore_mem>> -> memref<!tpu.dma_semaphore, #tpu.memory_space<semaphore_mem>>
      tpu.wait_indirect_dma semaphore(%dma_wait3A_465 : memref<!tpu.dma_semaphore, #tpu.memory_space<semaphore_mem>>) src(%dma_wait3A_463 : memref<100000x128xf32, #tpu.memory_space<hbm>>) dst(%dma_wait3A_457 : memref<112x128xf32, #tpu.memory_space<vmem>>)
      %ge3A = arith.constant 4 : i32
      %ge3A_466 = arith.cmpi sge, %scan3A_438, %ge3A : i32
      %convert_element_type3A_467 = arith.extui %ge3A_466 : i1 to i32
      %cond3A_468 = arith.constant 0 : i32
      %cond3A_469 = arith.cmpi ne, %convert_element_type3A_467, %cond3A_468 : i32
      scf.if %cond3A_469 {
        %mul3A_493 = arith.constant 16 : i32
        %mul3A_494 = arith.muli %scan3A_438, %mul3A_493 : i32
        %add3A_495 = arith.addi %min3A_3, %mul3A_494 : i32
        %dma_wait3A_496 = arith.constant 0 : i32
        %dma_wait3A_497 = arith.constant 0 : i32
        %dma_wait3A_498 = tpu.memref_slice %arg8[%rem3A_439, %dma_wait3A_496, %dma_wait3A_497] : memref<4x16x128xf32, #tpu.memory_space<vmem>> -> memref<1x16x128xf32, #tpu.memory_space<vmem>>
        %dma_wait3A_499 = tpu.memref_squeeze %dma_wait3A_498 : memref<1x16x128xf32, #tpu.memory_space<vmem>> -> memref<16x128xf32, #tpu.memory_space<vmem>>
        %dma_wait3A_500 = arith.constant 0 : i32
        %dma_wait3A_501 = tpu.memref_slice %arg4[%add3A_495, %dma_wait3A_500] : memref<25000x128xf32, #tpu.memory_space<hbm>> -> memref<16x128xf32, #tpu.memory_space<hbm>>
        %dma_wait3A_502 = tpu.memref_slice %arg11[%rem3A_439] : memref<4x!tpu.dma_semaphore, #tpu.memory_space<semaphore_mem>> -> memref<1x!tpu.dma_semaphore, #tpu.memory_space<semaphore_mem>>
        %dma_wait3A_503 = tpu.memref_squeeze %dma_wait3A_502 : memref<1x!tpu.dma_semaphore, #tpu.memory_space<semaphore_mem>> -> memref<!tpu.dma_semaphore, #tpu.memory_space<semaphore_mem>>
        %dma_wait3A_504 = arith.constant 0 : i32
        %dma_wait3A_505 = tpu.memref_slice %arg4[%add3A_495, %dma_wait3A_504] : memref<25000x128xf32, #tpu.memory_space<hbm>> -> memref<16x128xf32, #tpu.memory_space<hbm>>
        %dma_wait3A_506 = arith.constant 0 : i32
        %dma_wait3A_507 = arith.constant 0 : i32
        %dma_wait3A_508 = tpu.memref_slice %arg8[%rem3A_439, %dma_wait3A_506, %dma_wait3A_507] : memref<4x16x128xf32, #tpu.memory_space<vmem>> -> memref<1x16x128xf32, #tpu.memory_space<vmem>>
        %dma_wait3A_509 = tpu.memref_squeeze %dma_wait3A_508 : memref<1x16x128xf32, #tpu.memory_space<vmem>> -> memref<16x128xf32, #tpu.memory_space<vmem>>
        tpu.wait_dma2 semaphore(%dma_wait3A_503 : memref<!tpu.dma_semaphore, #tpu.memory_space<semaphore_mem>>) src(%dma_wait3A_509 : memref<16x128xf32, #tpu.memory_space<vmem>>) dst(%dma_wait3A_505 : memref<16x128xf32, #tpu.memory_space<hbm>>)
      } else {
      }
      %scan3A_470 = arith.constant 0 : i32
      %scan3A_471 = arith.constant 0 : i32
      %scan3A_472 = arith.constant 16 : i32
      %scan3A_473 = arith.addi %scan3A_471, %scan3A_472 : i32
      %scan3A_474 = arith.constant 1 : i32
      scf.for %scan3A_493 = %scan3A_471 to %scan3A_473 step %scan3A_474  : i32 {
        %get3A = arith.index_cast %rem3A_439 : i32 to index
        %get3A_494 = arith.index_cast %scan3A_493 : i32 to index
        %get3A_495 = arith.constant 0 : index
        %get3A_496 = tpu.vector_load %arg7[%get3A, %get3A_494, %get3A_495] {strides = array<i32>} : memref<4x112x128xf32, #tpu.memory_space<vmem>>, vector<16xf32>,
        %add3A_497 = arith.constant 16 : i32
        %add3A_498 = arith.addi %scan3A_493, %add3A_497 : i32
        %get3A_499 = arith.index_cast %rem3A_439 : i32 to index
        %get3A_500 = arith.index_cast %add3A_498 : i32 to index
        %get3A_501 = arith.constant 0 : index
        %get3A_502 = tpu.vector_load %arg7[%get3A_499, %get3A_500, %get3A_501] {strides = array<i32>} : memref<4x112x128xf32, #tpu.memory_space<vmem>>, vector<16xf32>,
        %max3A = arith.maximumf %get3A_496, %get3A_502 : vector<16xf32>
        %add3A_503 = arith.constant 32 : i32
        %add3A_504 = arith.addi %scan3A_493, %add3A_503 : i32
        %get3A_505 = arith.index_cast %rem3A_439 : i32 to index
        %get3A_506 = arith.index_cast %add3A_504 : i32 to index
        %get3A_507 = arith.constant 0 : index
        %get3A_508 = tpu.vector_load %arg7[%get3A_505, %get3A_506, %get3A_507] {strides = array<i32>} : memref<4x112x128xf32, #tpu.memory_space<vmem>>, vector<16xf32>,
        %max3A_509 = arith.maximumf %max3A, %get3A_508 : vector<16xf32>
        %add3A_510 = arith.constant 48 : i32
        %add3A_511 = arith.addi %scan3A_493, %add3A_510 : i32
        %get3A_512 = arith.index_cast %rem3A_439 : i32 to index
        %get3A_513 = arith.index_cast %add3A_511 : i32 to index
        %get3A_514 = arith.constant 0 : index
        %get3A_515 = tpu.vector_load %arg7[%get3A_512, %get3A_513, %get3A_514] {strides = array<i32>} : memref<4x112x128xf32, #tpu.memory_space<vmem>>, vector<16xf32>,
        %max3A_516 = arith.maximumf %max3A_509, %get3A_515 : vector<16xf32>
        %add3A_517 = arith.constant 64 : i32
        %add3A_518 = arith.addi %scan3A_493, %add3A_517 : i32
        %get3A_519 = arith.index_cast %rem3A_439 : i32 to index
        %get3A_520 = arith.index_cast %add3A_518 : i32 to index
        %get3A_521 = arith.constant 0 : index
        %get3A_522 = tpu.vector_load %arg7[%get3A_519, %get3A_520, %get3A_521] {strides = array<i32>} : memref<4x112x128xf32, #tpu.memory_space<vmem>>, vector<16xf32>,
        %max3A_523 = arith.maximumf %max3A_516, %get3A_522 : vector<16xf32>
        %add3A_524 = arith.constant 80 : i32
        %add3A_525 = arith.addi %scan3A_493, %add3A_524 : i32
        %get3A_526 = arith.index_cast %rem3A_439 : i32 to index
        %get3A_527 = arith.index_cast %add3A_525 : i32 to index
        %get3A_528 = arith.constant 0 : index
        %get3A_529 = tpu.vector_load %arg7[%get3A_526, %get3A_527, %get3A_528] {strides = array<i32>} : memref<4x112x128xf32, #tpu.memory_space<vmem>>, vector<16xf32>,
        %max3A_530 = arith.maximumf %max3A_523, %get3A_529 : vector<16xf32>
        %add3A_531 = arith.constant 96 : i32
        %add3A_532 = arith.addi %scan3A_493, %add3A_531 : i32
        %get3A_533 = arith.index_cast %rem3A_439 : i32 to index
        %get3A_534 = arith.index_cast %add3A_532 : i32 to index
        %get3A_535 = arith.constant 0 : index
        %get3A_536 = tpu.vector_load %arg7[%get3A_533, %get3A_534, %get3A_535] {strides = array<i32>} : memref<4x112x128xf32, #tpu.memory_space<vmem>>, vector<16xf32>,
        %max3A_537 = arith.maximumf %max3A_530, %get3A_536 : vector<16xf32>
        %swap3A_538 = arith.index_cast %rem3A_439 : i32 to index
        %swap3A_539 = arith.index_cast %scan3A_493 : i32 to index
        %swap3A_540 = arith.constant 0 : index
        %swap3A_541 = tpu.vector_load %arg8[%swap3A_538, %swap3A_539, %swap3A_540] {strides = array<i32>} : memref<4x16x128xf32, #tpu.memory_space<vmem>>, vector<16xf32>,
        tpu.vector_store %arg8[%swap3A_538, %swap3A_539, %swap3A_540], %max3A_537 {strides = array<i32>} : memref<4x16x128xf32, #tpu.memory_space<vmem>>, vector<16xf32>,
        %get3A_542 = arith.index_cast %rem3A_439 : i32 to index
        %get3A_543 = arith.index_cast %scan3A_493 : i32 to index
        %get3A_544 = arith.constant 16 : index
        %get3A_545 = tpu.vector_load %arg7[%get3A_542, %get3A_543, %get3A_544] {strides = array<i32>} : memref<4x112x128xf32, #tpu.memory_space<vmem>>, vector<16xf32>,
        %add3A_546 = arith.constant 16 : i32
        %add3A_547 = arith.addi %scan3A_493, %add3A_546 : i32
        %get3A_548 = arith.index_cast %rem3A_439 : i32 to index
        %get3A_549 = arith.index_cast %add3A_547 : i32 to index
        %get3A_550 = arith.constant 16 : index
        %get3A_551 = tpu.vector_load %arg7[%get3A_548, %get3A_549, %get3A_550] {strides = array<i32>} : memref<4x112x128xf32, #tpu.memory_space<vmem>>, vector<16xf32>,
        %max3A_552 = arith.maximumf %get3A_545, %get3A_551 : vector<16xf32>
        %add3A_553 = arith.constant 32 : i32
        %add3A_554 = arith.addi %scan3A_493, %add3A_553 : i32
        %get3A_555 = arith.index_cast %rem3A_439 : i32 to index
        %get3A_556 = arith.index_cast %add3A_554 : i32 to index
        %get3A_557 = arith.constant 16 : index
        %get3A_558 = tpu.vector_load %arg7[%get3A_555, %get3A_556, %get3A_557] {strides = array<i32>} : memref<4x112x128xf32, #tpu.memory_space<vmem>>, vector<16xf32>,
        %max3A_559 = arith.maximumf %max3A_552, %get3A_558 : vector<16xf32>
        %add3A_560 = arith.constant 48 : i32
        %add3A_561 = arith.addi %scan3A_493, %add3A_560 : i32
        %get3A_562 = arith.index_cast %rem3A_439 : i32 to index
        %get3A_563 = arith.index_cast %add3A_561 : i32 to index
        %get3A_564 = arith.constant 16 : index
        %get3A_565 = tpu.vector_load %arg7[%get3A_562, %get3A_563, %get3A_564] {strides = array<i32>} : memref<4x112x128xf32, #tpu.memory_space<vmem>>, vector<16xf32>,
        %max3A_566 = arith.maximumf %max3A_559, %get3A_565 : vector<16xf32>
        %add3A_567 = arith.constant 64 : i32
        %add3A_568 = arith.addi %scan3A_493, %add3A_567 : i32
        %get3A_569 = arith.index_cast %rem3A_439 : i32 to index
        %get3A_570 = arith.index_cast %add3A_568 : i32 to index
        %get3A_571 = arith.constant 16 : index
        %get3A_572 = tpu.vector_load %arg7[%get3A_569, %get3A_570, %get3A_571] {strides = array<i32>} : memref<4x112x128xf32, #tpu.memory_space<vmem>>, vector<16xf32>,
        %max3A_573 = arith.maximumf %max3A_566, %get3A_572 : vector<16xf32>
        %add3A_574 = arith.constant 80 : i32
        %add3A_575 = arith.addi %scan3A_493, %add3A_574 : i32
        %get3A_576 = arith.index_cast %rem3A_439 : i32 to index
        %get3A_577 = arith.index_cast %add3A_575 : i32 to index
        %get3A_578 = arith.constant 16 : index
        %get3A_579 = tpu.vector_load %arg7[%get3A_576, %get3A_577, %get3A_578] {strides = array<i32>} : memref<4x112x128xf32, #tpu.memory_space<vmem>>, vector<16xf32>,
        %max3A_580 = arith.maximumf %max3A_573, %get3A_579 : vector<16xf32>
        %add3A_581 = arith.constant 96 : i32
        %add3A_582 = arith.addi %scan3A_493, %add3A_581 : i32
        %get3A_583 = arith.index_cast %rem3A_439 : i32 to index
        %get3A_584 = arith.index_cast %add3A_582 : i32 to index
        %get3A_585 = arith.constant 16 : index
        %get3A_586 = tpu.vector_load %arg7[%get3A_583, %get3A_584, %get3A_585] {strides = array<i32>} : memref<4x112x128xf32, #tpu.memory_space<vmem>>, vector<16xf32>,
        %max3A_587 = arith.maximumf %max3A_580, %get3A_586 : vector<16xf32>
        %swap3A_588 = arith.index_cast %rem3A_439 : i32 to index
        %swap3A_589 = arith.index_cast %scan3A_493 : i32 to index
        %swap3A_590 = arith.constant 16 : index
        %swap3A_591 = tpu.vector_load %arg8[%swap3A_588, %swap3A_589, %swap3A_590] {strides = array<i32>} : memref<4x16x128xf32, #tpu.memory_space<vmem>>, vector<16xf32>,
        tpu.vector_store %arg8[%swap3A_588, %swap3A_589, %swap3A_590], %max3A_587 {strides = array<i32>} : memref<4x16x128xf32, #tpu.memory_space<vmem>>, vector<16xf32>,
        %get3A_592 = arith.index_cast %rem3A_439 : i32 to index
        %get3A_593 = arith.index_cast %scan3A_493 : i32 to index
        %get3A_594 = arith.constant 32 : index
        %get3A_595 = tpu.vector_load %arg7[%get3A_592, %get3A_593, %get3A_594] {strides = array<i32>} : memref<4x112x128xf32, #tpu.memory_space<vmem>>, vector<16xf32>,
        %add3A_596 = arith.constant 16 : i32
        %add3A_597 = arith.addi %scan3A_493, %add3A_596 : i32
        %get3A_598 = arith.index_cast %rem3A_439 : i32 to index
        %get3A_599 = arith.index_cast %add3A_597 : i32 to index
        %get3A_600 = arith.constant 32 : index
        %get3A_601 = tpu.vector_load %arg7[%get3A_598, %get3A_599, %get3A_600] {strides = array<i32>} : memref<4x112x128xf32, #tpu.memory_space<vmem>>, vector<16xf32>,
        %max3A_602 = arith.maximumf %get3A_595, %get3A_601 : vector<16xf32>
        %add3A_603 = arith.constant 32 : i32
        %add3A_604 = arith.addi %scan3A_493, %add3A_603 : i32
        %get3A_605 = arith.index_cast %rem3A_439 : i32 to index
        %get3A_606 = arith.index_cast %add3A_604 : i32 to index
        %get3A_607 = arith.constant 32 : index
        %get3A_608 = tpu.vector_load %arg7[%get3A_605, %get3A_606, %get3A_607] {strides = array<i32>} : memref<4x112x128xf32, #tpu.memory_space<vmem>>, vector<16xf32>,
        %max3A_609 = arith.maximumf %max3A_602, %get3A_608 : vector<16xf32>
        %add3A_610 = arith.constant 48 : i32
        %add3A_611 = arith.addi %scan3A_493, %add3A_610 : i32
        %get3A_612 = arith.index_cast %rem3A_439 : i32 to index
        %get3A_613 = arith.index_cast %add3A_611 : i32 to index
        %get3A_614 = arith.constant 32 : index
        %get3A_615 = tpu.vector_load %arg7[%get3A_612, %get3A_613, %get3A_614] {strides = array<i32>} : memref<4x112x128xf32, #tpu.memory_space<vmem>>, vector<16xf32>,
        %max3A_616 = arith.maximumf %max3A_609, %get3A_615 : vector<16xf32>
        %add3A_617 = arith.constant 64 : i32
        %add3A_618 = arith.addi %scan3A_493, %add3A_617 : i32
        %get3A_619 = arith.index_cast %rem3A_439 : i32 to index
        %get3A_620 = arith.index_cast %add3A_618 : i32 to index
        %get3A_621 = arith.constant 32 : index
        %get3A_622 = tpu.vector_load %arg7[%get3A_619, %get3A_620, %get3A_621] {strides = array<i32>} : memref<4x112x128xf32, #tpu.memory_space<vmem>>, vector<16xf32>,
        %max3A_623 = arith.maximumf %max3A_616, %get3A_622 : vector<16xf32>
        %add3A_624 = arith.constant 80 : i32
        %add3A_625 = arith.addi %scan3A_493, %add3A_624 : i32
        %get3A_626 = arith.index_cast %rem3A_439 : i32 to index
        %get3A_627 = arith.index_cast %add3A_625 : i32 to index
        %get3A_628 = arith.constant 32 : index
        %get3A_629 = tpu.vector_load %arg7[%get3A_626, %get3A_627, %get3A_628] {strides = array<i32>} : memref<4x112x128xf32, #tpu.memory_space<vmem>>, vector<16xf32>,
        %max3A_630 = arith.maximumf %max3A_623, %get3A_629 : vector<16xf32>
        %add3A_631 = arith.constant 96 : i32
        %add3A_632 = arith.addi %scan3A_493, %add3A_631 : i32
        %get3A_633 = arith.index_cast %rem3A_439 : i32 to index
        %get3A_634 = arith.index_cast %add3A_632 : i32 to index
        %get3A_635 = arith.constant 32 : index
        %get3A_636 = tpu.vector_load %arg7[%get3A_633, %get3A_634, %get3A_635] {strides = array<i32>} : memref<4x112x128xf32, #tpu.memory_space<vmem>>, vector<16xf32>,
        %max3A_637 = arith.maximumf %max3A_630, %get3A_636 : vector<16xf32>
        %swap3A_638 = arith.index_cast %rem3A_439 : i32 to index
        %swap3A_639 = arith.index_cast %scan3A_493 : i32 to index
        %swap3A_640 = arith.constant 32 : index
        %swap3A_641 = tpu.vector_load %arg8[%swap3A_638, %swap3A_639, %swap3A_640] {strides = array<i32>} : memref<4x16x128xf32, #tpu.memory_space<vmem>>, vector<16xf32>,
        tpu.vector_store %arg8[%swap3A_638, %swap3A_639, %swap3A_640], %max3A_637 {strides = array<i32>} : memref<4x16x128xf32, #tpu.memory_space<vmem>>, vector<16xf32>,
        %get3A_642 = arith.index_cast %rem3A_439 : i32 to index
        %get3A_643 = arith.index_cast %scan3A_493 : i32 to index
        %get3A_644 = arith.constant 48 : index
        %get3A_645 = tpu.vector_load %arg7[%get3A_642, %get3A_643, %get3A_644] {strides = array<i32>} : memref<4x112x128xf32, #tpu.memory_space<vmem>>, vector<16xf32>,
        %add3A_646 = arith.constant 16 : i32
        %add3A_647 = arith.addi %scan3A_493, %add3A_646 : i32
        %get3A_648 = arith.index_cast %rem3A_439 : i32 to index
        %get3A_649 = arith.index_cast %add3A_647 : i32 to index
        %get3A_650 = arith.constant 48 : index
        %get3A_651 = tpu.vector_load %arg7[%get3A_648, %get3A_649, %get3A_650] {strides = array<i32>} : memref<4x112x128xf32, #tpu.memory_space<vmem>>, vector<16xf32>,
        %max3A_652 = arith.maximumf %get3A_645, %get3A_651 : vector<16xf32>
        %add3A_653 = arith.constant 32 : i32
        %add3A_654 = arith.addi %scan3A_493, %add3A_653 : i32
        %get3A_655 = arith.index_cast %rem3A_439 : i32 to index
        %get3A_656 = arith.index_cast %add3A_654 : i32 to index
        %get3A_657 = arith.constant 48 : index
        %get3A_658 = tpu.vector_load %arg7[%get3A_655, %get3A_656, %get3A_657] {strides = array<i32>} : memref<4x112x128xf32, #tpu.memory_space<vmem>>, vector<16xf32>,
        %max3A_659 = arith.maximumf %max3A_652, %get3A_658 : vector<16xf32>
        %add3A_660 = arith.constant 48 : i32
        %add3A_661 = arith.addi %scan3A_493, %add3A_660 : i32
        %get3A_662 = arith.index_cast %rem3A_439 : i32 to index
        %get3A_663 = arith.index_cast %add3A_661 : i32 to index
        %get3A_664 = arith.constant 48 : index
        %get3A_665 = tpu.vector_load %arg7[%get3A_662, %get3A_663, %get3A_664] {strides = array<i32>} : memref<4x112x128xf32, #tpu.memory_space<vmem>>, vector<16xf32>,
        %max3A_666 = arith.maximumf %max3A_659, %get3A_665 : vector<16xf32>
        %add3A_667 = arith.constant 64 : i32
        %add3A_668 = arith.addi %scan3A_493, %add3A_667 : i32
        %get3A_669 = arith.index_cast %rem3A_439 : i32 to index
        %get3A_670 = arith.index_cast %add3A_668 : i32 to index
        %get3A_671 = arith.constant 48 : index
        %get3A_672 = tpu.vector_load %arg7[%get3A_669, %get3A_670, %get3A_671] {strides = array<i32>} : memref<4x112x128xf32, #tpu.memory_space<vmem>>, vector<16xf32>,
        %max3A_673 = arith.maximumf %max3A_666, %get3A_672 : vector<16xf32>
        %add3A_674 = arith.constant 80 : i32
        %add3A_675 = arith.addi %scan3A_493, %add3A_674 : i32
        %get3A_676 = arith.index_cast %rem3A_439 : i32 to index
        %get3A_677 = arith.index_cast %add3A_675 : i32 to index
        %get3A_678 = arith.constant 48 : index
        %get3A_679 = tpu.vector_load %arg7[%get3A_676, %get3A_677, %get3A_678] {strides = array<i32>} : memref<4x112x128xf32, #tpu.memory_space<vmem>>, vector<16xf32>,
        %max3A_680 = arith.maximumf %max3A_673, %get3A_679 : vector<16xf32>
        %add3A_681 = arith.constant 96 : i32
        %add3A_682 = arith.addi %scan3A_493, %add3A_681 : i32
        %get3A_683 = arith.index_cast %rem3A_439 : i32 to index
        %get3A_684 = arith.index_cast %add3A_682 : i32 to index
        %get3A_685 = arith.constant 48 : index
        %get3A_686 = tpu.vector_load %arg7[%get3A_683, %get3A_684, %get3A_685] {strides = array<i32>} : memref<4x112x128xf32, #tpu.memory_space<vmem>>, vector<16xf32>,
        %max3A_687 = arith.maximumf %max3A_680, %get3A_686 : vector<16xf32>
        %swap3A_688 = arith.index_cast %rem3A_439 : i32 to index
        %swap3A_689 = arith.index_cast %scan3A_493 : i32 to index
        %swap3A_690 = arith.constant 48 : index
        %swap3A_691 = tpu.vector_load %arg8[%swap3A_688, %swap3A_689, %swap3A_690] {strides = array<i32>} : memref<4x16x128xf32, #tpu.memory_space<vmem>>, vector<16xf32>,
        tpu.vector_store %arg8[%swap3A_688, %swap3A_689, %swap3A_690], %max3A_687 {strides = array<i32>} : memref<4x16x128xf32, #tpu.memory_space<vmem>>, vector<16xf32>,
        %get3A_692 = arith.index_cast %rem3A_439 : i32 to index
        %get3A_693 = arith.index_cast %scan3A_493 : i32 to index
        %get3A_694 = arith.constant 64 : index
        %get3A_695 = tpu.vector_load %arg7[%get3A_692, %get3A_693, %get3A_694] {strides = array<i32>} : memref<4x112x128xf32, #tpu.memory_space<vmem>>, vector<16xf32>,
        %add3A_696 = arith.constant 16 : i32
        %add3A_697 = arith.addi %scan3A_493, %add3A_696 : i32
        %get3A_698 = arith.index_cast %rem3A_439 : i32 to index
        %get3A_699 = arith.index_cast %add3A_697 : i32 to index
        %get3A_700 = arith.constant 64 : index
        %get3A_701 = tpu.vector_load %arg7[%get3A_698, %get3A_699, %get3A_700] {strides = array<i32>} : memref<4x112x128xf32, #tpu.memory_space<vmem>>, vector<16xf32>,
        %max3A_702 = arith.maximumf %get3A_695, %get3A_701 : vector<16xf32>
        %add3A_703 = arith.constant 32 : i32
        %add3A_704 = arith.addi %scan3A_493, %add3A_703 : i32
        %get3A_705 = arith.index_cast %rem3A_439 : i32 to index
        %get3A_706 = arith.index_cast %add3A_704 : i32 to index
        %get3A_707 = arith.constant 64 : index
        %get3A_708 = tpu.vector_load %arg7[%get3A_705, %get3A_706, %get3A_707] {strides = array<i32>} : memref<4x112x128xf32, #tpu.memory_space<vmem>>, vector<16xf32>,
        %max3A_709 = arith.maximumf %max3A_702, %get3A_708 : vector<16xf32>
        %add3A_710 = arith.constant 48 : i32
        %add3A_711 = arith.addi %scan3A_493, %add3A_710 : i32
        %get3A_712 = arith.index_cast %rem3A_439 : i32 to index
        %get3A_713 = arith.index_cast %add3A_711 : i32 to index
        %get3A_714 = arith.constant 64 : index
        %get3A_715 = tpu.vector_load %arg7[%get3A_712, %get3A_713, %get3A_714] {strides = array<i32>} : memref<4x112x128xf32, #tpu.memory_space<vmem>>, vector<16xf32>,
        %max3A_716 = arith.maximumf %max3A_709, %get3A_715 : vector<16xf32>
        %add3A_717 = arith.constant 64 : i32
        %add3A_718 = arith.addi %scan3A_493, %add3A_717 : i32
        %get3A_719 = arith.index_cast %rem3A_439 : i32 to index
        %get3A_720 = arith.index_cast %add3A_718 : i32 to index
        %get3A_721 = arith.constant 64 : index
        %get3A_722 = tpu.vector_load %arg7[%get3A_719, %get3A_720, %get3A_721] {strides = array<i32>} : memref<4x112x128xf32, #tpu.memory_space<vmem>>, vector<16xf32>,
        %max3A_723 = arith.maximumf %max3A_716, %get3A_722 : vector<16xf32>
        %add3A_724 = arith.constant 80 : i32
        %add3A_725 = arith.addi %scan3A_493, %add3A_724 : i32
        %get3A_726 = arith.index_cast %rem3A_439 : i32 to index
        %get3A_727 = arith.index_cast %add3A_725 : i32 to index
        %get3A_728 = arith.constant 64 : index
        %get3A_729 = tpu.vector_load %arg7[%get3A_726, %get3A_727, %get3A_728] {strides = array<i32>} : memref<4x112x128xf32, #tpu.memory_space<vmem>>, vector<16xf32>,
        %max3A_730 = arith.maximumf %max3A_723, %get3A_729 : vector<16xf32>
        %add3A_731 = arith.constant 96 : i32
        %add3A_732 = arith.addi %scan3A_493, %add3A_731 : i32
        %get3A_733 = arith.index_cast %rem3A_439 : i32 to index
        %get3A_734 = arith.index_cast %add3A_732 : i32 to index
        %get3A_735 = arith.constant 64 : index
        %get3A_736 = tpu.vector_load %arg7[%get3A_733, %get3A_734, %get3A_735] {strides = array<i32>} : memref<4x112x128xf32, #tpu.memory_space<vmem>>, vector<16xf32>,
        %max3A_737 = arith.maximumf %max3A_730, %get3A_736 : vector<16xf32>
        %swap3A_738 = arith.index_cast %rem3A_439 : i32 to index
        %swap3A_739 = arith.index_cast %scan3A_493 : i32 to index
        %swap3A_740 = arith.constant 64 : index
        %swap3A_741 = tpu.vector_load %arg8[%swap3A_738, %swap3A_739, %swap3A_740] {strides = array<i32>} : memref<4x16x128xf32, #tpu.memory_space<vmem>>, vector<16xf32>,
        tpu.vector_store %arg8[%swap3A_738, %swap3A_739, %swap3A_740], %max3A_737 {strides = array<i32>} : memref<4x16x128xf32, #tpu.memory_space<vmem>>, vector<16xf32>,
        %get3A_742 = arith.index_cast %rem3A_439 : i32 to index
        %get3A_743 = arith.index_cast %scan3A_493 : i32 to index
        %get3A_744 = arith.constant 80 : index
        %get3A_745 = tpu.vector_load %arg7[%get3A_742, %get3A_743, %get3A_744] {strides = array<i32>} : memref<4x112x128xf32, #tpu.memory_space<vmem>>, vector<16xf32>,
        %add3A_746 = arith.constant 16 : i32
        %add3A_747 = arith.addi %scan3A_493, %add3A_746 : i32
        %get3A_748 = arith.index_cast %rem3A_439 : i32 to index
        %get3A_749 = arith.index_cast %add3A_747 : i32 to index
        %get3A_750 = arith.constant 80 : index
        %get3A_751 = tpu.vector_load %arg7[%get3A_748, %get3A_749, %get3A_750] {strides = array<i32>} : memref<4x112x128xf32, #tpu.memory_space<vmem>>, vector<16xf32>,
        %max3A_752 = arith.maximumf %get3A_745, %get3A_751 : vector<16xf32>
        %add3A_753 = arith.constant 32 : i32
        %add3A_754 = arith.addi %scan3A_493, %add3A_753 : i32
        %get3A_755 = arith.index_cast %rem3A_439 : i32 to index
        %get3A_756 = arith.index_cast %add3A_754 : i32 to index
        %get3A_757 = arith.constant 80 : index
        %get3A_758 = tpu.vector_load %arg7[%get3A_755, %get3A_756, %get3A_757] {strides = array<i32>} : memref<4x112x128xf32, #tpu.memory_space<vmem>>, vector<16xf32>,
        %max3A_759 = arith.maximumf %max3A_752, %get3A_758 : vector<16xf32>
        %add3A_760 = arith.constant 48 : i32
        %add3A_761 = arith.addi %scan3A_493, %add3A_760 : i32
        %get3A_762 = arith.index_cast %rem3A_439 : i32 to index
        %get3A_763 = arith.index_cast %add3A_761 : i32 to index
        %get3A_764 = arith.constant 80 : index
        %get3A_765 = tpu.vector_load %arg7[%get3A_762, %get3A_763, %get3A_764] {strides = array<i32>} : memref<4x112x128xf32, #tpu.memory_space<vmem>>, vector<16xf32>,
        %max3A_766 = arith.maximumf %max3A_759, %get3A_765 : vector<16xf32>
        %add3A_767 = arith.constant 64 : i32
        %add3A_768 = arith.addi %scan3A_493, %add3A_767 : i32
        %get3A_769 = arith.index_cast %rem3A_439 : i32 to index
        %get3A_770 = arith.index_cast %add3A_768 : i32 to index
        %get3A_771 = arith.constant 80 : index
        %get3A_772 = tpu.vector_load %arg7[%get3A_769, %get3A_770, %get3A_771] {strides = array<i32>} : memref<4x112x128xf32, #tpu.memory_space<vmem>>, vector<16xf32>,
        %max3A_773 = arith.maximumf %max3A_766, %get3A_772 : vector<16xf32>
        %add3A_774 = arith.constant 80 : i32
        %add3A_775 = arith.addi %scan3A_493, %add3A_774 : i32
        %get3A_776 = arith.index_cast %rem3A_439 : i32 to index
        %get3A_777 = arith.index_cast %add3A_775 : i32 to index
        %get3A_778 = arith.constant 80 : index
        %get3A_779 = tpu.vector_load %arg7[%get3A_776, %get3A_777, %get3A_778] {strides = array<i32>} : memref<4x112x128xf32, #tpu.memory_space<vmem>>, vector<16xf32>,
        %max3A_780 = arith.maximumf %max3A_773, %get3A_779 : vector<16xf32>
        %add3A_781 = arith.constant 96 : i32
        %add3A_782 = arith.addi %scan3A_493, %add3A_781 : i32
        %get3A_783 = arith.index_cast %rem3A_439 : i32 to index
        %get3A_784 = arith.index_cast %add3A_782 : i32 to index
        %get3A_785 = arith.constant 80 : index
        %get3A_786 = tpu.vector_load %arg7[%get3A_783, %get3A_784, %get3A_785] {strides = array<i32>} : memref<4x112x128xf32, #tpu.memory_space<vmem>>, vector<16xf32>,
        %max3A_787 = arith.maximumf %max3A_780, %get3A_786 : vector<16xf32>
        %swap3A_788 = arith.index_cast %rem3A_439 : i32 to index
        %swap3A_789 = arith.index_cast %scan3A_493 : i32 to index
        %swap3A_790 = arith.constant 80 : index
        %swap3A_791 = tpu.vector_load %arg8[%swap3A_788, %swap3A_789, %swap3A_790] {strides = array<i32>} : memref<4x16x128xf32, #tpu.memory_space<vmem>>, vector<16xf32>,
        tpu.vector_store %arg8[%swap3A_788, %swap3A_789, %swap3A_790], %max3A_787 {strides = array<i32>} : memref<4x16x128xf32, #tpu.memory_space<vmem>>, vector<16xf32>,
        %get3A_792 = arith.index_cast %rem3A_439 : i32 to index
        %get3A_793 = arith.index_cast %scan3A_493 : i32 to index
        %get3A_794 = arith.constant 96 : index
        %get3A_795 = tpu.vector_load %arg7[%get3A_792, %get3A_793, %get3A_794] {strides = array<i32>} : memref<4x112x128xf32, #tpu.memory_space<vmem>>, vector<16xf32>,
        %add3A_796 = arith.constant 16 : i32
        %add3A_797 = arith.addi %scan3A_493, %add3A_796 : i32
        %get3A_798 = arith.index_cast %rem3A_439 : i32 to index
        %get3A_799 = arith.index_cast %add3A_797 : i32 to index
        %get3A_800 = arith.constant 96 : index
        %get3A_801 = tpu.vector_load %arg7[%get3A_798, %get3A_799, %get3A_800] {strides = array<i32>} : memref<4x112x128xf32, #tpu.memory_space<vmem>>, vector<16xf32>,
        %max3A_802 = arith.maximumf %get3A_795, %get3A_801 : vector<16xf32>
        %add3A_803 = arith.constant 32 : i32
        %add3A_804 = arith.addi %scan3A_493, %add3A_803 : i32
        %get3A_805 = arith.index_cast %rem3A_439 : i32 to index
        %get3A_806 = arith.index_cast %add3A_804 : i32 to index
        %get3A_807 = arith.constant 96 : index
        %get3A_808 = tpu.vector_load %arg7[%get3A_805, %get3A_806, %get3A_807] {strides = array<i32>} : memref<4x112x128xf32, #tpu.memory_space<vmem>>, vector<16xf32>,
        %max3A_809 = arith.maximumf %max3A_802, %get3A_808 : vector<16xf32>
        %add3A_810 = arith.constant 48 : i32
        %add3A_811 = arith.addi %scan3A_493, %add3A_810 : i32
        %get3A_812 = arith.index_cast %rem3A_439 : i32 to index
        %get3A_813 = arith.index_cast %add3A_811 : i32 to index
        %get3A_814 = arith.constant 96 : index
        %get3A_815 = tpu.vector_load %arg7[%get3A_812, %get3A_813, %get3A_814] {strides = array<i32>} : memref<4x112x128xf32, #tpu.memory_space<vmem>>, vector<16xf32>,
        %max3A_816 = arith.maximumf %max3A_809, %get3A_815 : vector<16xf32>
        %add3A_817 = arith.constant 64 : i32
        %add3A_818 = arith.addi %scan3A_493, %add3A_817 : i32
        %get3A_819 = arith.index_cast %rem3A_439 : i32 to index
        %get3A_820 = arith.index_cast %add3A_818 : i32 to index
        %get3A_821 = arith.constant 96 : index
        %get3A_822 = tpu.vector_load %arg7[%get3A_819, %get3A_820, %get3A_821] {strides = array<i32>} : memref<4x112x128xf32, #tpu.memory_space<vmem>>, vector<16xf32>,
        %max3A_823 = arith.maximumf %max3A_816, %get3A_822 : vector<16xf32>
        %add3A_824 = arith.constant 80 : i32
        %add3A_825 = arith.addi %scan3A_493, %add3A_824 : i32
        %get3A_826 = arith.index_cast %rem3A_439 : i32 to index
        %get3A_827 = arith.index_cast %add3A_825 : i32 to index
        %get3A_828 = arith.constant 96 : index
        %get3A_829 = tpu.vector_load %arg7[%get3A_826, %get3A_827, %get3A_828] {strides = array<i32>} : memref<4x112x128xf32, #tpu.memory_space<vmem>>, vector<16xf32>,
        %max3A_830 = arith.maximumf %max3A_823, %get3A_829 : vector<16xf32>
        %add3A_831 = arith.constant 96 : i32
        %add3A_832 = arith.addi %scan3A_493, %add3A_831 : i32
        %get3A_833 = arith.index_cast %rem3A_439 : i32 to index
        %get3A_834 = arith.index_cast %add3A_832 : i32 to index
        %get3A_835 = arith.constant 96 : index
        %get3A_836 = tpu.vector_load %arg7[%get3A_833, %get3A_834, %get3A_835] {strides = array<i32>} : memref<4x112x128xf32, #tpu.memory_space<vmem>>, vector<16xf32>,
        %max3A_837 = arith.maximumf %max3A_830, %get3A_836 : vector<16xf32>
        %swap3A_838 = arith.index_cast %rem3A_439 : i32 to index
        %swap3A_839 = arith.index_cast %scan3A_493 : i32 to index
        %swap3A_840 = arith.constant 96 : index
        %swap3A_841 = tpu.vector_load %arg8[%swap3A_838, %swap3A_839, %swap3A_840] {strides = array<i32>} : memref<4x16x128xf32, #tpu.memory_space<vmem>>, vector<16xf32>,
        tpu.vector_store %arg8[%swap3A_838, %swap3A_839, %swap3A_840], %max3A_837 {strides = array<i32>} : memref<4x16x128xf32, #tpu.memory_space<vmem>>, vector<16xf32>,
        %get3A_842 = arith.index_cast %rem3A_439 : i32 to index
        %get3A_843 = arith.index_cast %scan3A_493 : i32 to index
        %get3A_844 = arith.constant 112 : index
        %get3A_845 = tpu.vector_load %arg7[%get3A_842, %get3A_843, %get3A_844] {strides = array<i32>} : memref<4x112x128xf32, #tpu.memory_space<vmem>>, vector<16xf32>,
        %add3A_846 = arith.constant 16 : i32
        %add3A_847 = arith.addi %scan3A_493, %add3A_846 : i32
        %get3A_848 = arith.index_cast %rem3A_439 : i32 to index
        %get3A_849 = arith.index_cast %add3A_847 : i32 to index
        %get3A_850 = arith.constant 112 : index
        %get3A_851 = tpu.vector_load %arg7[%get3A_848, %get3A_849, %get3A_850] {strides = array<i32>} : memref<4x112x128xf32, #tpu.memory_space<vmem>>, vector<16xf32>,
        %max3A_852 = arith.maximumf %get3A_845, %get3A_851 : vector<16xf32>
        %add3A_853 = arith.constant 32 : i32
        %add3A_854 = arith.addi %scan3A_493, %add3A_853 : i32
        %get3A_855 = arith.index_cast %rem3A_439 : i32 to index
        %get3A_856 = arith.index_cast %add3A_854 : i32 to index
        %get3A_857 = arith.constant 112 : index
        %get3A_858 = tpu.vector_load %arg7[%get3A_855, %get3A_856, %get3A_857] {strides = array<i32>} : memref<4x112x128xf32, #tpu.memory_space<vmem>>, vector<16xf32>,
        %max3A_859 = arith.maximumf %max3A_852, %get3A_858 : vector<16xf32>
        %add3A_860 = arith.constant 48 : i32
        %add3A_861 = arith.addi %scan3A_493, %add3A_860 : i32
        %get3A_862 = arith.index_cast %rem3A_439 : i32 to index
        %get3A_863 = arith.index_cast %add3A_861 : i32 to index
        %get3A_864 = arith.constant 112 : index
        %get3A_865 = tpu.vector_load %arg7[%get3A_862, %get3A_863, %get3A_864] {strides = array<i32>} : memref<4x112x128xf32, #tpu.memory_space<vmem>>, vector<16xf32>,
        %max3A_866 = arith.maximumf %max3A_859, %get3A_865 : vector<16xf32>
        %add3A_867 = arith.constant 64 : i32
        %add3A_868 = arith.addi %scan3A_493, %add3A_867 : i32
        %get3A_869 = arith.index_cast %rem3A_439 : i32 to index
        %get3A_870 = arith.index_cast %add3A_868 : i32 to index
        %get3A_871 = arith.constant 112 : index
        %get3A_872 = tpu.vector_load %arg7[%get3A_869, %get3A_870, %get3A_871] {strides = array<i32>} : memref<4x112x128xf32, #tpu.memory_space<vmem>>, vector<16xf32>,
        %max3A_873 = arith.maximumf %max3A_866, %get3A_872 : vector<16xf32>
        %add3A_874 = arith.constant 80 : i32
        %add3A_875 = arith.addi %scan3A_493, %add3A_874 : i32
        %get3A_876 = arith.index_cast %rem3A_439 : i32 to index
        %get3A_877 = arith.index_cast %add3A_875 : i32 to index
        %get3A_878 = arith.constant 112 : index
        %get3A_879 = tpu.vector_load %arg7[%get3A_876, %get3A_877, %get3A_878] {strides = array<i32>} : memref<4x112x128xf32, #tpu.memory_space<vmem>>, vector<16xf32>,
        %max3A_880 = arith.maximumf %max3A_873, %get3A_879 : vector<16xf32>
        %add3A_881 = arith.constant 96 : i32
        %add3A_882 = arith.addi %scan3A_493, %add3A_881 : i32
        %get3A_883 = arith.index_cast %rem3A_439 : i32 to index
        %get3A_884 = arith.index_cast %add3A_882 : i32 to index
        %get3A_885 = arith.constant 112 : index
        %get3A_886 = tpu.vector_load %arg7[%get3A_883, %get3A_884, %get3A_885] {strides = array<i32>} : memref<4x112x128xf32, #tpu.memory_space<vmem>>, vector<16xf32>,
        %max3A_887 = arith.maximumf %max3A_880, %get3A_886 : vector<16xf32>
        %swap3A_888 = arith.index_cast %rem3A_439 : i32 to index
        %swap3A_889 = arith.index_cast %scan3A_493 : i32 to index
        %swap3A_890 = arith.constant 112 : index
        %swap3A_891 = tpu.vector_load %arg8[%swap3A_888, %swap3A_889, %swap3A_890] {strides = array<i32>} : memref<4x16x128xf32, #tpu.memory_space<vmem>>, vector<16xf32>,
        tpu.vector_store %arg8[%swap3A_888, %swap3A_889, %swap3A_890], %max3A_887 {strides = array<i32>} : memref<4x16x128xf32, #tpu.memory_space<vmem>>, vector<16xf32>,
      }
      %scan3A_475 = arith.constant 16 : i32
      %mul3A_476 = arith.constant 16 : i32
      %mul3A_477 = arith.muli %scan3A_438, %mul3A_476 : i32
      %add3A_478 = arith.addi %min3A_3, %mul3A_477 : i32
      %dma_start3A_479 = arith.constant 0 : i32
      %dma_start3A_480 = arith.constant 0 : i32
      %dma_start3A_481 = tpu.memref_slice %arg8[%rem3A_439, %dma_start3A_479, %dma_start3A_480] : memref<4x16x128xf32, #tpu.memory_space<vmem>> -> memref<1x16x128xf32, #tpu.memory_space<vmem>>
      %dma_start3A_482 = tpu.memref_squeeze %dma_start3A_481 : memref<1x16x128xf32, #tpu.memory_space<vmem>> -> memref<16x128xf32, #tpu.memory_space<vmem>>
      %dma_start3A_483 = arith.constant 0 : i32
      %dma_start3A_484 = tpu.memref_slice %arg4[%add3A_478, %dma_start3A_483] : memref<25000x128xf32, #tpu.memory_space<hbm>> -> memref<16x128xf32, #tpu.memory_space<hbm>>
      %dma_start3A_485 = tpu.memref_slice %arg11[%rem3A_439] : memref<4x!tpu.dma_semaphore, #tpu.memory_space<semaphore_mem>> -> memref<1x!tpu.dma_semaphore, #tpu.memory_space<semaphore_mem>>
      %dma_start3A_486 = tpu.memref_squeeze %dma_start3A_485 : memref<1x!tpu.dma_semaphore, #tpu.memory_space<semaphore_mem>> -> memref<!tpu.dma_semaphore, #tpu.memory_space<semaphore_mem>>
      %dma_start3A_487 = arith.constant 0 : i32
      %dma_start3A_488 = tpu.memref_slice %arg4[%add3A_478, %dma_start3A_487] : memref<25000x128xf32, #tpu.memory_space<hbm>> -> memref<16x128xf32, #tpu.memory_space<hbm>>
      %dma_start3A_489 = arith.constant 0 : i32
      %dma_start3A_490 = arith.constant 0 : i32
      %dma_start3A_491 = tpu.memref_slice %arg8[%rem3A_439, %dma_start3A_489, %dma_start3A_490] : memref<4x16x128xf32, #tpu.memory_space<vmem>> -> memref<1x16x128xf32, #tpu.memory_space<vmem>>
      %dma_start3A_492 = tpu.memref_squeeze %dma_start3A_491 : memref<1x16x128xf32, #tpu.memory_space<vmem>> -> memref<16x128xf32, #tpu.memory_space<vmem>>
      tpu.enqueue_dma source(%dma_start3A_492 : memref<16x128xf32, #tpu.memory_space<vmem>>) target(%dma_start3A_488 : memref<16x128xf32, #tpu.memory_space<hbm>>) target_semaphore(%dma_start3A_486 : memref<!tpu.dma_semaphore, #tpu.memory_space<semaphore_mem>>)
    }
    %scan3A_365 = arith.constant 49 : i32
    %add3A_366 = arith.constant 0 : i32
    %add3A_367 = arith.addi %min3A_3, %add3A_366 : i32
    %dma_wait3A_368 = arith.constant 0 : i32
    %dma_wait3A_369 = arith.constant 0 : i32
    %dma_wait3A_370 = arith.constant 0 : i32
    %dma_wait3A_371 = arith.constant 0 : i32
    %dma_wait3A_372 = tpu.memref_slice %arg8[%dma_wait3A_368, %dma_wait3A_370, %dma_wait3A_371] : memref<4x16x128xf32, #tpu.memory_space<vmem>> -> memref<1x16x128xf32, #tpu.memory_space<vmem>>
    %dma_wait3A_373 = tpu.memref_squeeze %dma_wait3A_372 : memref<1x16x128xf32, #tpu.memory_space<vmem>> -> memref<16x128xf32, #tpu.memory_space<vmem>>
    %dma_wait3A_374 = arith.constant 0 : i32
    %dma_wait3A_375 = tpu.memref_slice %arg4[%add3A_367, %dma_wait3A_374] : memref<25000x128xf32, #tpu.memory_space<hbm>> -> memref<16x128xf32, #tpu.memory_space<hbm>>
    %dma_wait3A_376 = tpu.memref_slice %arg11[%dma_wait3A_369] : memref<4x!tpu.dma_semaphore, #tpu.memory_space<semaphore_mem>> -> memref<1x!tpu.dma_semaphore, #tpu.memory_space<semaphore_mem>>
    %dma_wait3A_377 = tpu.memref_squeeze %dma_wait3A_376 : memref<1x!tpu.dma_semaphore, #tpu.memory_space<semaphore_mem>> -> memref<!tpu.dma_semaphore, #tpu.memory_space<semaphore_mem>>
    %dma_wait3A_378 = arith.constant 0 : i32
    %dma_wait3A_379 = tpu.memref_slice %arg4[%add3A_367, %dma_wait3A_378] : memref<25000x128xf32, #tpu.memory_space<hbm>> -> memref<16x128xf32, #tpu.memory_space<hbm>>
    %dma_wait3A_380 = arith.constant 0 : i32
    %dma_wait3A_381 = arith.constant 0 : i32
    %dma_wait3A_382 = tpu.memref_slice %arg8[%dma_wait3A_368, %dma_wait3A_380, %dma_wait3A_381] : memref<4x16x128xf32, #tpu.memory_space<vmem>> -> memref<1x16x128xf32, #tpu.memory_space<vmem>>
    %dma_wait3A_383 = tpu.memref_squeeze %dma_wait3A_382 : memref<1x16x128xf32, #tpu.memory_space<vmem>> -> memref<16x128xf32, #tpu.memory_space<vmem>>
    tpu.wait_dma2 semaphore(%dma_wait3A_377 : memref<!tpu.dma_semaphore, #tpu.memory_space<semaphore_mem>>) src(%dma_wait3A_383 : memref<16x128xf32, #tpu.memory_space<vmem>>) dst(%dma_wait3A_379 : memref<16x128xf32, #tpu.memory_space<hbm>>)
    %add3A_384 = arith.constant 0 : i32
    %add3A_385 = arith.addi %min3A_3, %add3A_384 : i32
    %dma_wait3A_386 = arith.constant 1 : i32
    %dma_wait3A_387 = arith.constant 1 : i32
    %dma_wait3A_388 = arith.constant 0 : i32
    %dma_wait3A_389 = arith.constant 0 : i32
    %dma_wait3A_390 = tpu.memref_slice %arg8[%dma_wait3A_386, %dma_wait3A_388, %dma_wait3A_389] : memref<4x16x128xf32, #tpu.memory_space<vmem>> -> memref<1x16x128xf32, #tpu.memory_space<vmem>>
    %dma_wait3A_391 = tpu.memref_squeeze %dma_wait3A_390 : memref<1x16x128xf32, #tpu.memory_space<vmem>> -> memref<16x128xf32, #tpu.memory_space<vmem>>
    %dma_wait3A_392 = arith.constant 0 : i32
    %dma_wait3A_393 = tpu.memref_slice %arg4[%add3A_385, %dma_wait3A_392] : memref<25000x128xf32, #tpu.memory_space<hbm>> -> memref<16x128xf32, #tpu.memory_space<hbm>>
    %dma_wait3A_394 = tpu.memref_slice %arg11[%dma_wait3A_387] : memref<4x!tpu.dma_semaphore, #tpu.memory_space<semaphore_mem>> -> memref<1x!tpu.dma_semaphore, #tpu.memory_space<semaphore_mem>>
    %dma_wait3A_395 = tpu.memref_squeeze %dma_wait3A_394 : memref<1x!tpu.dma_semaphore, #tpu.memory_space<semaphore_mem>> -> memref<!tpu.dma_semaphore, #tpu.memory_space<semaphore_mem>>
    %dma_wait3A_396 = arith.constant 0 : i32
    %dma_wait3A_397 = tpu.memref_slice %arg4[%add3A_385, %dma_wait3A_396] : memref<25000x128xf32, #tpu.memory_space<hbm>> -> memref<16x128xf32, #tpu.memory_space<hbm>>
    %dma_wait3A_398 = arith.constant 0 : i32
    %dma_wait3A_399 = arith.constant 0 : i32
    %dma_wait3A_400 = tpu.memref_slice %arg8[%dma_wait3A_386, %dma_wait3A_398, %dma_wait3A_399] : memref<4x16x128xf32, #tpu.memory_space<vmem>> -> memref<1x16x128xf32, #tpu.memory_space<vmem>>
    %dma_wait3A_401 = tpu.memref_squeeze %dma_wait3A_400 : memref<1x16x128xf32, #tpu.memory_space<vmem>> -> memref<16x128xf32, #tpu.memory_space<vmem>>
    tpu.wait_dma2 semaphore(%dma_wait3A_395 : memref<!tpu.dma_semaphore, #tpu.memory_space<semaphore_mem>>) src(%dma_wait3A_401 : memref<16x128xf32, #tpu.memory_space<vmem>>) dst(%dma_wait3A_397 : memref<16x128xf32, #tpu.memory_space<hbm>>)
    %add3A_402 = arith.constant 0 : i32
    %add3A_403 = arith.addi %min3A_3, %add3A_402 : i32
    %dma_wait3A_404 = arith.constant 2 : i32
    %dma_wait3A_405 = arith.constant 2 : i32
    %dma_wait3A_406 = arith.constant 0 : i32
    %dma_wait3A_407 = arith.constant 0 : i32
    %dma_wait3A_408 = tpu.memref_slice %arg8[%dma_wait3A_404, %dma_wait3A_406, %dma_wait3A_407] : memref<4x16x128xf32, #tpu.memory_space<vmem>> -> memref<1x16x128xf32, #tpu.memory_space<vmem>>
    %dma_wait3A_409 = tpu.memref_squeeze %dma_wait3A_408 : memref<1x16x128xf32, #tpu.memory_space<vmem>> -> memref<16x128xf32, #tpu.memory_space<vmem>>
    %dma_wait3A_410 = arith.constant 0 : i32
    %dma_wait3A_411 = tpu.memref_slice %arg4[%add3A_403, %dma_wait3A_410] : memref<25000x128xf32, #tpu.memory_space<hbm>> -> memref<16x128xf32, #tpu.memory_space<hbm>>
    %dma_wait3A_412 = tpu.memref_slice %arg11[%dma_wait3A_405] : memref<4x!tpu.dma_semaphore, #tpu.memory_space<semaphore_mem>> -> memref<1x!tpu.dma_semaphore, #tpu.memory_space<semaphore_mem>>
    %dma_wait3A_413 = tpu.memref_squeeze %dma_wait3A_412 : memref<1x!tpu.dma_semaphore, #tpu.memory_space<semaphore_mem>> -> memref<!tpu.dma_semaphore, #tpu.memory_space<semaphore_mem>>
    %dma_wait3A_414 = arith.constant 0 : i32
    %dma_wait3A_415 = tpu.memref_slice %arg4[%add3A_403, %dma_wait3A_414] : memref<25000x128xf32, #tpu.memory_space<hbm>> -> memref<16x128xf32, #tpu.memory_space<hbm>>
    %dma_wait3A_416 = arith.constant 0 : i32
    %dma_wait3A_417 = arith.constant 0 : i32
    %dma_wait3A_418 = tpu.memref_slice %arg8[%dma_wait3A_404, %dma_wait3A_416, %dma_wait3A_417] : memref<4x16x128xf32, #tpu.memory_space<vmem>> -> memref<1x16x128xf32, #tpu.memory_space<vmem>>
    %dma_wait3A_419 = tpu.memref_squeeze %dma_wait3A_418 : memref<1x16x128xf32, #tpu.memory_space<vmem>> -> memref<16x128xf32, #tpu.memory_space<vmem>>
    tpu.wait_dma2 semaphore(%dma_wait3A_413 : memref<!tpu.dma_semaphore, #tpu.memory_space<semaphore_mem>>) src(%dma_wait3A_419 : memref<16x128xf32, #tpu.memory_space<vmem>>) dst(%dma_wait3A_415 : memref<16x128xf32, #tpu.memory_space<hbm>>)
    %add3A_420 = arith.constant 0 : i32
    %add3A_421 = arith.addi %min3A_3, %add3A_420 : i32
    %dma_wait3A_422 = arith.constant 3 : i32
    %dma_wait3A_423 = arith.constant 3 : i32
    %dma_wait3A_424 = arith.constant 0 : i32
    %dma_wait3A_425 = arith.constant 0 : i32
    %dma_wait3A_426 = tpu.memref_slice %arg8[%dma_wait3A_422, %dma_wait3A_424, %dma_wait3A_425] : memref<4x16x128xf32, #tpu.memory_space<vmem>> -> memref<1x16x128xf32, #tpu.memory_space<vmem>>
    %dma_wait3A_427 = tpu.memref_squeeze %dma_wait3A_426 : memref<1x16x128xf32, #tpu.memory_space<vmem>> -> memref<16x128xf32, #tpu.memory_space<vmem>>
    %dma_wait3A_428 = arith.constant 0 : i32
    %dma_wait3A_429 = tpu.memref_slice %arg4[%add3A_421, %dma_wait3A_428] : memref<25000x128xf32, #tpu.memory_space<hbm>> -> memref<16x128xf32, #tpu.memory_space<hbm>>
    %dma_wait3A_430 = tpu.memref_slice %arg11[%dma_wait3A_423] : memref<4x!tpu.dma_semaphore, #tpu.memory_space<semaphore_mem>> -> memref<1x!tpu.dma_semaphore, #tpu.memory_space<semaphore_mem>>
    %dma_wait3A_431 = tpu.memref_squeeze %dma_wait3A_430 : memref<1x!tpu.dma_semaphore, #tpu.memory_space<semaphore_mem>> -> memref<!tpu.dma_semaphore, #tpu.memory_space<semaphore_mem>>
    %dma_wait3A_432 = arith.constant 0 : i32
    %dma_wait3A_433 = tpu.memref_slice %arg4[%add3A_421, %dma_wait3A_432] : memref<25000x128xf32, #tpu.memory_space<hbm>> -> memref<16x128xf32, #tpu.memory_space<hbm>>
    %dma_wait3A_434 = arith.constant 0 : i32
    %dma_wait3A_435 = arith.constant 0 : i32
    %dma_wait3A_436 = tpu.memref_slice %arg8[%dma_wait3A_422, %dma_wait3A_434, %dma_wait3A_435] : memref<4x16x128xf32, #tpu.memory_space<vmem>> -> memref<1x16x128xf32, #tpu.memory_space<vmem>>
    %dma_wait3A_437 = tpu.memref_squeeze %dma_wait3A_436 : memref<1x16x128xf32, #tpu.memory_space<vmem>> -> memref<16x128xf32, #tpu.memory_space<vmem>>
    tpu.wait_dma2 semaphore(%dma_wait3A_431 : memref<!tpu.dma_semaphore, #tpu.memory_space<semaphore_mem>>) src(%dma_wait3A_437 : memref<16x128xf32, #tpu.memory_space<vmem>>) dst(%dma_wait3A_433 : memref<16x128xf32, #tpu.memory_space<hbm>>)
    return
  }
}

</mosaic_0001>

<sc_bundles>
// kernel: _hex_pool.3.cloned.1.call-start
scs
__scs_entry_jumppad:
0x0: {  	(pc) =	sbr.rel $0x88, $3  }
0x1: {  	(tag) =	ssettag $0x0;
	lr =	simm.s32 $0x1  }
0x2: {  	[smem:$0x3F9F] =	sst lr;
	_ =	strace $0xD0000000  }
0x3: {  	_ = 	snop  }
0x4: {  	_ = 	snop  }
0x5: {  	_ = 	snop  }
0x6: {  	_ = 	snop  }
0x7: {  	_ = 	snop  }
__scs_overlays_trampoline_lowered:
0x8: {  	[smem:$0x3FAE] =	sst s0  }
0x9: {  	[smem:$0x3FAF] =	sst s1  }
0xa: {  	[smem:$0x3FB0] =	sst s2  }
0xb: {  	[smem:$0x3FB1] =	sst s3  }
0xc: {  	[smem:$0x3FB2] =	sst s4  }
0xd: {  	[smem:$0x3FB3] =	sst s5  }
0xe: {  	[smem:$0x3FB4] =	sst s6  }
0xf: {  	[smem:$0x3FB5] =	sst s7  }
0x10: {  	[smem:$0x3FB6] =	sst s8  }
0x11: {  	[smem:$0x3FB7] =	sst s9;
	s0 =	simm.s32 @!p0 $0x0  }
0x12: {  	s1 =	sld [smem:$0x3F9D];
	s0 =	simm.s32 @p0 $0x1  }
0x13: {  	[smem:$0x3FB8] =	sst s0;
	s0 =	simm.s32 @!p1 $0x0  }
0x14: {  	s2 =	sld [smem:$0x3F9C];
	s0 =	simm.s32 @p1 $0x1  }
0x15: {  	[smem:$0x3FB9] =	sst s0;
	s0 =	simm.s32 @!p2 $0x0  }
0x16: {  	s3 =	sld [smem:$0x3FDB];
	s0 =	simm.s32 @p2 $0x1  }
0x17: {  	s4 =	simm.s32 $0x1BF5;
	[smem:$0x3FBB] =	sst s0  }
0x18: {  	s0 =	sld [smem:$0x3F9E];
	_ =	swait.ge [sflag:s4], $0x0  }
0x19: {  	s7 =	sld [smem:$0x3F9F]  }
0x1a: {  	s8 =	sadd.s32 $0xFFFFE003, lr  }
0x1b: {  	s9 =	sadd.s32 $0xFFFFFEF7, lr;
	s5 =	simm.s32 $0xFFFFFFFF;
	p2 =	slt.u32 s8, $0xFFFFF086  }
0x1c: {  	p1 =	slt.u32 s9, $0xF7A;
	s5 =	simm.s32 @!p2 $0x0  }
0x1d: {  	s5 =	simm.s32 @p1 $0x1;
	p0 =	seq.s32 s7, s2  }
0x1e: {  	s7 =	smul.u32 @!p0 $0xF7A, s2;
	p2 =	seq.s32 @!p0 s5, $0x0  }
0x1f: {  	s9 =	smul.u32 $0xF7A, s1;
	s8 =	simm.s32 @!p0 $0x1BF5;
	p2 =	por !p2, p0  }
0x20: {  	[sflag:s8] =	ssyncset.s32 @!p0 $0xFFFFF086;
	s6 =	sadd.s32 @!p0 s3, s7;
	s7 =	simm.s32 @!p0 $0x108  }
0x21: {  	s3 =	sadd.s32 s3, s9;
	s6 =	sadd.s32 @!p0 $0x88, s6;
	s7 =	simm.s32 @p2 $0x1082  }
0x22: {  	[simem:s7], [sflag:s8] =	dma.local @!p0 [hbm:s6], $0xF7A  }
0x23: {  	s9 =	sor.u32 $0xD0000000, s2;
	s6 =	simm.s32 $0x108;
	_ =	swait.ge @!p0 [sflag:s8], $0x0  }
0x24: {  	s3 =	sadd.s32 $0x88, s3;
	s6 =	simm.s32 @!p1 $0x1082;
	[sflag:s4] =	ssyncset.s32 $0xFFFFF086  }
0x25: {  	[simem:s6], [sflag:s4] =	dma.local [hbm:s3], $0xF7A  }
0x26: {  	[smem:$0x3F9F] =	sst s1;
	(tag) =	ssettag s2;
	_ =	strace s9  }
0x27: {  	s1 =	sld [smem:$0x3FAF]  }
0x28: {  	s2 =	sld [smem:$0x3FB0]  }
0x29: {  	s4 =	sld [smem:$0x3FB2]  }
0x2a: {  	p0 =	seq.s32 s5, $0x0;
	s5 =	sld [smem:$0x3FB3]  }
0x2b: {  	s6 =	sld [smem:$0x3FB4]  }
0x2c: {  	s7 =	sld [smem:$0x3FB5]  }
0x2d: {  	s3 =	simm.s32 $0x108;
	s8 =	sld [smem:$0x3FB6]  }
0x2e: {  	s3 =	simm.s32 @!p0 $0x1082;
	s9 =	sld [smem:$0x3FB7]  }
0x2f: {  	lr =	sadd.s32 s0, s3;
	s0 =	sld [smem:$0x3FAE]  }
0x30: {  	s3 =	sld [smem:$0x3FB1]  }
0x31: {  	[smem:$0x3FBA] =	sst s10  }
0x32: {  	s10 =	sld [smem:$0x3FB8];
	_ =	sdelay $0x3  }
0x33: {  	p0 =	seq.s32 s10, $0x1;
	s10 =	sld [smem:$0x3FBA];
	_ =	sdelay $0x3  }
0x34: {  	[smem:$0x3FBA] =	sst s10  }
0x35: {  	s10 =	sld [smem:$0x3FB9];
	_ =	sdelay $0x3  }
0x36: {  	p1 =	seq.s32 s10, $0x1;
	s10 =	sld [smem:$0x3FBA];
	_ =	sdelay $0x3  }
0x37: {  	[smem:$0x3FBA] =	sst s10  }
0x38: {  	s10 =	sld [smem:$0x3FBB]  }
0x39: {  	_ = 	snop;
	(pc) =	sbr.ind lr, $3  }
0x3a: {  	_ = 	snop  }
0x3b: {  	_ = 	snop  }
0x3c: {  	p2 =	seq.s32 s10, $0x1;
	s10 =	sld [smem:$0x3FBA]  }
0x3d: {  	_ =	shalt  }
0x3e: {  	_ =	shalt  }
0x3f: {  	_ =	shalt  }
0x40: {  	_ =	shalt  }
0x41: {  	_ =	shalt  }
0x42: {  	_ =	shalt  }
0x43: {  	_ =	shalt  }
0x44: {  	_ =	shalt  }
0x45: {  	_ =	shalt  }
0x46: {  	_ =	shalt  }
0x47: {  	_ =	shalt  }
0x48: {  	_ =	shalt  }
0x49: {  	_ =	shalt  }
0x4a: {  	_ =	shalt  }
0x4b: {  	_ =	shalt  }
0x4c: {  	_ =	shalt  }
0x4d: {  	_ =	shalt  }
0x4e: {  	_ =	shalt  }
0x4f: {  	_ =	shalt  }
0x50: {  	_ =	shalt  }
0x51: {  	_ =	shalt  }
0x52: {  	_ =	shalt  }
0x53: {  	_ =	shalt  }
0x54: {  	_ =	shalt  }
0x55: {  	_ =	shalt  }
0x56: {  	_ =	shalt  }
0x57: {  	_ =	shalt  }
0x58: {  	_ =	shalt  }
0x59: {  	_ =	shalt  }
0x5a: {  	_ =	shalt  }
0x5b: {  	_ =	shalt  }
0x5c: {  	_ =	shalt  }
0x5d: {  	_ =	shalt  }
0x5e: {  	_ =	shalt  }
0x5f: {  	_ =	shalt  }
0x60: {  	_ =	shalt  }
0x61: {  	_ =	shalt  }
0x62: {  	_ =	shalt  }
0x63: {  	_ =	shalt  }
0x64: {  	_ =	shalt  }
0x65: {  	_ =	shalt  }
0x66: {  	_ =	shalt  }
0x67: {  	_ =	shalt  }
0x68: {  	_ =	shalt  }
0x69: {  	_ =	shalt  }
0x6a: {  	_ =	shalt  }
0x6b: {  	_ =	shalt  }
0x6c: {  	_ =	shalt  }
0x6d: {  	_ =	shalt  }
0x6e: {  	_ =	shalt  }
0x6f: {  	_ =	shalt  }
0x70: {  	_ =	shalt  }
0x71: {  	_ =	shalt  }
0x72: {  	_ =	shalt  }
0x73: {  	_ =	shalt  }
0x74: {  	_ =	shalt  }
0x75: {  	_ =	shalt  }
0x76: {  	_ =	shalt  }
0x77: {  	_ =	shalt  }
0x78: {  	_ =	shalt  }
0x79: {  	_ =	shalt  }
0x7a: {  	_ =	shalt  }
0x7b: {  	_ =	shalt  }
0x7c: {  	_ =	shalt  }
0x7d: {  	_ =	shalt  }
0x7e: {  	_ =	shalt  }
0x7f: {  	_ =	shalt  }
0x80: {  	_ =	shalt  }
0x81: {  	_ =	shalt  }
0x82: {  	_ =	shalt  }
0x83: {  	_ =	shalt  }
0x84: {  	_ =	shalt  }
0x85: {  	_ =	shalt  }
0x86: {  	_ =	shalt  }
0x87: {  	_ =	shalt  }
.Lfunc_end0:
.L_simem_size_0:
called_computation_lowered:
.L_overlay_start_0:
0x88: {  	s2 =	sld [smem:$0x3FD9]  }
0x89: {  	s3 =	sld [smem:$0x3FFE];
	_ =	sdelay $0x1  }
0x8a: {  	s1 =	srdreg.scid  }
0x8b: {  	s0 =	sand.u32 $0x1, s1  }
0x8c: {  	s17 =	sshll.u32 s0, $0xA;
	s2 =	sadd.s32 s3, s2  }
0x8d: {  	s2 =	sadd.s32 s2, s17  }
0x8e: {  	[smem:$0x3FC6] =	sst s2  }
0x8f: {  	_ = 	snop  }
0x90: {  	s2 =	sld [smem:$0x3FC9]  }
0x91: {  	s18 =	sld [smem:$0x3FD0];
	(tm) =	ssettm $0x1  }
0x92: {  	s4 =	sld [smem:$0x3FFB];
	_ =	sdelay $0x3  }
0x93: {  	_ =	strace s4  }
0x94: {  	s4 =	sld [smem:$0x3FFC];
	_ =	sdelay $0x3  }
0x95: {  	_ =	strace s4  }
0x96: {  	s4 =	sld [smem:$0x3FFD];
	_ =	sdelay $0x3  }
0x97: {  	_ =	strace s4  }
0x98: {  	_ =	strace $0x8FFFFFFF  }
0x99: {  	s19 =	sld [smem:$0x3FDB];
	_ =	sdelay $0x1  }
0x9a: {  	s5 =	simm.s32 $_scs_section_size  }
0x9b: {  	s6 =	simm.s32 $_size__tile_overlayer_lowered;
	s7 =	simm.s32 $_tile_overlayer_lowered  }
0x9c: {  	s22 =	simm.s32 $0x1BFF;
	s21 =	sshll.u32 s7, $0x1;
	s4 =	sadd.s32 s5, s19  }
0x9d: {  	s8 =	simm.s32 $0x0;
	s20 =	sshll.u32 s6, $0x1;
	s6 =	sadd.s32 s21, s4  }
0x9e: {  	[timem:s8], [sflag:s22] =	dma.local [hbm:s6], s20  }
0x9f: {  	_ =	swait.ge [sflag:s22], s20  }
0xa0: {  	s5 =	ssub.s32 $0x0, s20;
	[sflag:s22] =	ssyncset.done $0x0  }
0xa1: {  	[sflag:s22] =	ssyncadd.s32 s5;
	_ =	sdelay $0x1  }
0xa2: {  	s23 =	simm.s32 $0x1B8B  }
0xa3: {  	_ =	swait.ge [sflag:s23], $0x1  }
0xa4: {  	[sflag:s23] =	ssyncset.done $0x0  }
0xa5: {  	s25 =	simm.s32 $0x1B8E;
	s24 =	sld [smem:$0x3FFE];
	[sflag:s23] =	ssyncadd.s32 $0xFFFFFFFF  }
0xa6: {  	s26 =	simm.s32 $execute0_lowered;
	[smem:$0x3FD2] =	sst s25  }
0xa7: {  	s6 =	sshll.u32 s26, $0x1;
	_ =	strace $0x80000046;
	[dreg:$0x1] =	wrdreg $0xFFFFFFFF  }
0xa8: {  	s28 =	simm.s32 $_size_execute0_lowered;
	s4 =	sadd.s32 s4, s6;
	[dreg:$0x0] =	wrdreg $0x0  }
0xa9: {  	s6 =	sshll.u32 s28, $0x1;
	[dreg:$0x2] =	wrdreg s4  }
0xaa: {  	[dreg:$0x3] =	wrdreg s6  }
0xab: {  	[dreg:$0x4] =	wrdreg $0xC0  }
0xac: {  	_ =	task [dreg:s8], $0x5FFFF  }
0xad: {  	[dreg:$0x1] =	wrdreg $0xFFFFFFFF  }
0xae: {  	[dreg:$0x0] =	wrdreg $0x60  }
0xaf: {  	[dreg:$0x2] =	wrdreg s2  }
0xb0: {  	[dreg:$0x3] =	wrdreg s24  }
0xb1: {  	[dreg:$0x4] =	wrdreg s18  }
0xb2: {  	[dreg:$0x5] =	wrdreg $0x9  }
0xb3: {  	_ =	task.clear_ibuf [dreg:s8], $0x6FFFF;
	_ =	strace $0x90000046  }
0xb4: {  	s29 =	simm.s32 $0x9;
	_ =	strace $0x80000048  }
0xb5: {  	_ =	swait.ge [sflag:s29], $0x1  }
0xb6: {  	[sflag:s29] =	ssyncadd.s32 $0xFFFFFFFF  }
0xb7: {  	_ =	strace $0x90000048  }
0xb8: {  	_ =	sfence  }
0xb9: {  	s30 =	sld [smem:$0x0];
	_ =	sdelay $0x2  }
0xba: {  	s31 =	sshll.u32 s1, $0xD;
	s1 =	sshrl.u32 s1, $0x2  }
0xbb: {  	s3 =	sand.u32 $0x4000, s31;
	s1 =	sadd.s32 s1, s30  }
0xbc: {  	s0 =	sor.u32 s3, s0;
	s1 =	sshll.u32 s1, $0x11  }
0xbd: {  	s0 =	sor.u32 s1, s0  }
0xbe: {  	s0 =	sadd.s32 $0x8F2B, s0  }
0xbf: {  	[sflag:s0] =	ssyncadd.remote.s32 $0x1  }
0xc0: {  	_ =	sfence.sel $0xFFFF  }
0xc1: {  	[dreg:$0x0] =	wrdreg $0xFFFFFFFF;
	(pc) =	sbr.abs _section_cstart, $3  }
0xc2: {  	[dreg:$0x1] =	wrdreg $0xFFFFFFFF  }
0xc3: {  	_ =	task.clear_ibuf [dreg:s8], $0x2FFFF;
	_ =	strace $0x9FFFFFFF  }
0xc4: {  	(tm) =	ssettm $0x7FFFFFFF  }
0xc5: {  	_ =	shalt  }
tec
execute0_lowered:
.L_overlay_start_1:
0x0: {  	(tag) =	ssettag $0x1  }
0x1: {  	s0 =	srdreg.scid;
	s2 =	rddreg [dreg:$0x0]  }
0x2: {  	s1 =	stileid.u32;
	s4 =	rddreg [dreg:$0x1]  }
0x3: {  	s10 =	rddreg [dreg:$0x2];
	s3 =	simm.s32 $0x0;
	s17 =	simm.s32 $0x1  }
0x4: {  	s18 =	simm.s32 $0x70;
	s20 =	simm.s32 $0x4200;
	s21 =	simm.s32 $0x2  }
0x5: {  	v0 =	vlaneseq.u32;
	s22 =	simm.s32 $0x4080;
	s23 =	simm.s32 $0x7A00;
	s24 =	simm.s32 $0x3  }
0x6: {  	s25 =	simm.s32 $0x4100;
	s0 =	sand.u32 $0x1, s0;
	s1 =	sshll.u32 s1, $0x1;
	v0 =	vmul.u32 $0x80, v0  }
0x7: {  	s28 =	simm.s32 $0xD;
	s29 =	simm.s32 $0xE;
	s1 =	sor.u32 s0, s1  }
0x8: {  	s30 =	simm.s32 $0xF;
	s0 =	ssub.s32 $0x2, s0;
	s1 =	smul.u32 $0x310, s1;
	v1 =	vor.u32 $0x1, v0;
	v2 =	vor.u32 $0x2, v0  }
0x9: {  	s31 =	simm.s32 $0x10;
	[smem:$0x7FF] =	sst s3;
	s26 =	sshrl.u32 s0, $0x1;
	v3 =	vor.u32 $0x3, v0;
	v4 =	vor.u32 $0x4, v0;
	v5 =	vor.u32 $0x5, v0  }
0xa: {  	_ =	strace $0x80000047;
	v6 =	vor.u32 $0x6, v0;
	v7 =	vor.u32 $0x800, v0;
	v8 =	vor.u32 $0x801, v0;
	s0 =	ssub.s32 s0, s26;
	s1 =	smin.u32 s1, $0x5E98  }
0xb: {  	v9 =	vor.u32 $0x802, v0;
	v10 =	vor.u32 $0x803, v0;
	v11 =	vor.u32 $0x804, v0;
	s26 =	simm.s32 $0xB200;
	s11 =	smax.u32 s0, $0x1;
	s1 =	sshll.u32 s1, $0x4  }
0xc: {  	v12 =	vor.u32 $0x805, v0;
	v13 =	vor.u32 $0x806, v0;
	v14 =	vor.u32 $0x1000, v0;
	s9 =	sadd.s32 s1, s4;
	s10 =	sadd.s32 s10, s1;
	s1 =	simm.s32 $0x0  }
0xd: {  	v15 =	vor.u32 $0x1001, v0;
	v16 =	vor.u32 $0x1002, v0;
	v17 =	vor.u32 $0x1003, v0;
	s4 =	sadd.s32 $0x400, s9;
	s5 =	sadd.s32 $0x500, s9;
	s6 =	sadd.s32 $0x600, s9  }
0xe: {  	v18 =	vor.u32 $0x1004, v0;
	v19 =	vor.u32 $0x1005, v0;
	v20 =	vor.u32 $0x1006, v0;
	s7 =	sadd.s32 $0x700, s9;
	s8 =	sadd.s32 $0x800, s9;
	s9 =	sadd.s32 $0x900, s9  }
.LBB2_1:
0xf: {  	[tilespmem:s3], [sflag:$0x1] =	stream.linear.gather [hbm4b:s4+s3], $0x800, $0x38;
	[tilespmem:$0x14200] =	vst v63  }
0x10: {  	s0 =	simm.s32 $0x800  }
0x11: {  	[tilespmem:s0], [sflag:$0x2] =	stream.linear.gather [hbm4b:s5+s3], $0x800, $0x38;
	[tilespmem:$0x14200] =	vst v63  }
0x12: {  	s13 =	simm.s32 $0x1000  }
0x13: {  	[tilespmem:s13], [sflag:$0x3] =	stream.linear.gather [hbm4b:s6+s3], $0x800, $0x38;
	[tilespmem:$0x14200] =	vst v63  }
0x14: {  	s14 =	simm.s32 $0x1800  }
0x15: {  	[tilespmem:s14], [sflag:$0x4] =	stream.linear.gather [hbm4b:s7+s3], $0x800, $0x38;
	[tilespmem:$0x14200] =	vst v63  }
0x16: {  	s15 =	simm.s32 $0x2000  }
0x17: {  	[tilespmem:s15], [sflag:$0x5] =	stream.linear.gather [hbm4b:s8+s3], $0x800, $0x38;
	[tilespmem:$0x14200] =	vst v63  }
0x18: {  	s16 =	simm.s32 $0x2800  }
0x19: {  	[tilespmem:s16], [sflag:$0x6] =	stream.linear.gather [hbm4b:s9+s3], $0x800, $0x38;
	[tilespmem:$0x14200] =	vst v63  }
0x1a: {  	_ =	swait.ge [sflag:s17], $0x800  }
0x1b: {  	[sflag:s17] =	ssyncset.done $0x0  }
0x1c: {  	[sflag:s17] =	ssyncadd.s32 $0xFFFFF800  }
0x1d: {  	v21 =	vld.idx.msk [tilespmem:v0+s3+$0x0], $0xffff;
	_ =	sdelay $0x4  }
0x1e: {  	[tilespmem:$0x4000] =	vst v21  }
0x1f: {  	v21 =	vld.idx.msk [tilespmem:v1+s3+$0x0], $0xffff;
	_ =	sdelay $0x4  }
0x20: {  	[tilespmem:$0x4010] =	vst v21  }
0x21: {  	v21 =	vld.idx.msk [tilespmem:v2+s3+$0x0], $0xffff;
	_ =	sdelay $0x4  }
0x22: {  	[tilespmem:$0x4020] =	vst v21  }
0x23: {  	v21 =	vld.idx.msk [tilespmem:v3+s3+$0x0], $0xffff;
	_ =	sdelay $0x4  }
0x24: {  	[tilespmem:$0x4030] =	vst v21  }
0x25: {  	v21 =	vld.idx.msk [tilespmem:v4+s3+$0x0], $0xffff;
	_ =	sdelay $0x4  }
0x26: {  	[tilespmem:$0x4040] =	vst v21  }
0x27: {  	v21 =	vld.idx.msk [tilespmem:v5+s3+$0x0], $0xffff;
	_ =	sdelay $0x4  }
0x28: {  	[tilespmem:$0x4050] =	vst v21  }
0x29: {  	v21 =	vld.idx.msk [tilespmem:v6+s3+$0x0], $0xffff;
	_ =	sdelay $0x4  }
0x2a: {  	s19 =	simm.s32 $0x4000;
	[tilespmem:$0x4060] =	vst v21  }
0x2b: {  	[tilespmem:s20], [sflag:$0x9] =	stream.indirect.gather [hbm4b:s2+s18], $0x80, s19, s18, $0xb8;
	[tilespmem:$0x14200] =	vst v63  }
0x2c: {  	_ =	swait.ge [sflag:s21], $0x800  }
0x2d: {  	[sflag:s21] =	ssyncset.done $0x0  }
0x2e: {  	[sflag:s21] =	ssyncadd.s32 $0xFFFFF800  }
0x2f: {  	v21 =	vld.idx.msk [tilespmem:v7+s3+$0x0], $0xffff;
	_ =	sdelay $0x4  }
0x30: {  	[tilespmem:$0x4080] =	vst v21  }
0x31: {  	v21 =	vld.idx.msk [tilespmem:v8+s3+$0x0], $0xffff;
	_ =	sdelay $0x4  }
0x32: {  	[tilespmem:$0x4090] =	vst v21  }
0x33: {  	v21 =	vld.idx.msk [tilespmem:v9+s3+$0x0], $0xffff;
	_ =	sdelay $0x4  }
0x34: {  	[tilespmem:$0x40A0] =	vst v21  }
0x35: {  	v21 =	vld.idx.msk [tilespmem:v10+s3+$0x0], $0xffff;
	_ =	sdelay $0x4  }
0x36: {  	[tilespmem:$0x40B0] =	vst v21  }
0x37: {  	v21 =	vld.idx.msk [tilespmem:v11+s3+$0x0], $0xffff;
	_ =	sdelay $0x4  }
0x38: {  	[tilespmem:$0x40C0] =	vst v21  }
0x39: {  	v21 =	vld.idx.msk [tilespmem:v12+s3+$0x0], $0xffff;
	_ =	sdelay $0x4  }
0x3a: {  	[tilespmem:$0x40D0] =	vst v21  }
0x3b: {  	v21 =	vld.idx.msk [tilespmem:v13+s3+$0x0], $0xffff;
	_ =	sdelay $0x4  }
0x3c: {  	[tilespmem:$0x40E0] =	vst v21  }
0x3d: {  	[tilespmem:s23], [sflag:$0xA] =	stream.indirect.gather [hbm4b:s2+s18], $0x80, s22, s18, $0xb8;
	[tilespmem:$0x14200] =	vst v63  }
0x3e: {  	_ =	swait.ge [sflag:s24], $0x800  }
0x3f: {  	[sflag:s24] =	ssyncset.done $0x0  }
0x40: {  	[sflag:s24] =	ssyncadd.s32 $0xFFFFF800  }
0x41: {  	v21 =	vld.idx.msk [tilespmem:v14+s3+$0x0], $0xffff;
	_ =	sdelay $0x4  }
0x42: {  	[tilespmem:$0x4100] =	vst v21  }
0x43: {  	v21 =	vld.idx.msk [tilespmem:v15+s3+$0x0], $0xffff;
	_ =	sdelay $0x4  }
0x44: {  	[tilespmem:$0x4110] =	vst v21  }
0x45: {  	v21 =	vld.idx.msk [tilespmem:v16+s3+$0x0], $0xffff;
	_ =	sdelay $0x4  }
0x46: {  	[tilespmem:$0x4120] =	vst v21  }
0x47: {  	v21 =	vld.idx.msk [tilespmem:v17+s3+$0x0], $0xffff;
	_ =	sdelay $0x4  }
0x48: {  	[tilespmem:$0x4130] =	vst v21  }
0x49: {  	v21 =	vld.idx.msk [tilespmem:v18+s3+$0x0], $0xffff;
	_ =	sdelay $0x4  }
0x4a: {  	[tilespmem:$0x4140] =	vst v21  }
0x4b: {  	v21 =	vld.idx.msk [tilespmem:v19+s3+$0x0], $0xffff;
	_ =	sdelay $0x4  }
0x4c: {  	[tilespmem:$0x4150] =	vst v21  }
0x4d: {  	v21 =	vld.idx.msk [tilespmem:v20+s3+$0x0], $0xffff;
	_ =	sdelay $0x4  }
0x4e: {  	s12 =	simm.s32 $0x0;
	s0 =	simm.s32 $0x0;
	[tilespmem:$0x4160] =	vst v21  }
0x4f: {  	[tilespmem:s26], [sflag:$0xB] =	stream.indirect.gather [hbm4b:s2+s18], $0x80, s25, s18, $0xb8;
	[tilespmem:$0x14200] =	vst v63  }
.LBB2_2:
0x50: {  	p0 =	sgt.u32 s12, $0x2A  }
.Ltmp0:
0x51: {  	_ = 	snop;
	(pc) =	sbr.rel @p0 .LBB2_4-.Ltmp0, $1  }
0x52: {  	_ =	sdelay $0x3  }
.Ltmp1:
0x53: {  	(pc) =	sbr.rel .LBB2_5-.Ltmp1, $4  }
0x54: {  	s13 =	sadd.s32 $0x6, s12  }
0x55: {  	s14 =	sshll.u32 s13, $0x8;
	s13 =	sand.u32 $0x7, s13  }
0x56: {  	s15 =	sshll.u32 s13, $0xB;
	s13 =	sadd.s32 $0x1, s13;
	s14 =	sadd.s32 s14, s4  }
0x57: {  	[tilespmem:s15], [sflag:s13] =	stream.linear.gather [hbm4b:s14+s3], $0x800, $0x38;
	[tilespmem:$0x14200] =	vst v63  }
.LBB2_4:
0x58: {  	p0 =	sgt.u32 s12, $0x2D  }
.Ltmp2:
0x59: {  	_ = 	snop;
	(pc) =	sbr.rel @p0 .LBB2_6-.Ltmp2, $1  }
0x5a: {  	_ =	sdelay $0x3  }
.LBB2_5:
0x5b: {  	s13 =	sadd.s32 $0x3, s12  }
0x5c: {  	s14 =	sand.u32 $0x7, s13  }
0x5d: {  	s15 =	sshll.u32 s14, $0xB  }
0x5e: {  	v21 =	vor.u32 s15, v0  }
0x5f: {  	s14 =	sadd.s32 $0x1, s14  }
0x60: {  	_ =	swait.ge [sflag:s14], $0x800  }
0x61: {  	[sflag:s14] =	ssyncset.done $0x0  }
0x62: {  	[sflag:s14] =	ssyncadd.s32 $0xFFFFF800  }
0x63: {  	v21 =	vld.idx.msk [tilespmem:v21+s3+$0x0], $0xffff  }
0x64: {  	v22 =	vor.u32 s15, v1;
	_ =	sdelay $0x1  }
0x65: {  	s13 =	sand.u32 $0x3, s13  }
0x66: {  	s19 =	sshll.u32 s13, $0x7  }
0x67: {  	[tilespmem:s19+$0x4000] =	vst v21  }
0x68: {  	v21 =	vld.idx.msk [tilespmem:v22+s3+$0x0], $0xffff  }
0x69: {  	v22 =	vor.u32 s15, v2;
	_ =	sdelay $0x3  }
0x6a: {  	[tilespmem:s19+$0x4010] =	vst v21  }
0x6b: {  	v21 =	vld.idx.msk [tilespmem:v22+s3+$0x0], $0xffff  }
0x6c: {  	v22 =	vor.u32 s15, v3;
	_ =	sdelay $0x3  }
0x6d: {  	[tilespmem:s19+$0x4020] =	vst v21  }
0x6e: {  	v21 =	vld.idx.msk [tilespmem:v22+s3+$0x0], $0xffff  }
0x6f: {  	v22 =	vor.u32 s15, v4;
	_ =	sdelay $0x3  }
0x70: {  	[tilespmem:s19+$0x4030] =	vst v21  }
0x71: {  	v21 =	vld.idx.msk [tilespmem:v22+s3+$0x0], $0xffff  }
0x72: {  	v22 =	vor.u32 s15, v5;
	_ =	sdelay $0x3  }
0x73: {  	[tilespmem:s19+$0x4040] =	vst v21  }
0x74: {  	v21 =	vld.idx.msk [tilespmem:v22+s3+$0x0], $0xffff  }
0x75: {  	v22 =	vor.u32 s15, v6;
	_ =	sdelay $0x3  }
0x76: {  	[tilespmem:s19+$0x4050] =	vst v21  }
0x77: {  	v21 =	vld.idx.msk [tilespmem:v22+s3+$0x0], $0xffff;
	_ =	sdelay $0x1  }
0x78: {  	s16 =	smul.u32 $0xE000, s13;
	_ =	sdelay $0x1  }
0x79: {  	s15 =	sshrl.u32 s16, $0x2  }
0x7a: {  	s13 =	sadd.s32 $0x9, s13;
	s16 =	sor.u32 $0x4000, s19;
	[tilespmem:s19+$0x4060] =	vst v21;
	s19 =	sadd.s32 $0x4200, s15  }
0x7b: {  	[tilespmem:s19], [sflag:s13] =	stream.indirect.gather [hbm4b:s2+s18], $0x80, s16, s18, $0xb8;
	[tilespmem:$0x14200] =	vst v63  }
.LBB2_6:
0x7c: {  	s15 =	sand.u32 $0x3, s0  }
0x7d: {  	s14 =	smul.u32 $0xE000, s15  }
0x7e: {  	s13 =	sand.u32 $0x3, s12  }
0x7f: {  	s16 =	sadd.s32 $0x9, s13;
	s14 =	sshrl.u32 s14, $0x2  }
0x80: {  	_ =	swait.ge [sflag:s16], $0x3800;
	s14 =	sadd.s32 $0x7270, s14  }
0x81: {  	p0 =	slt.u32 s12, $0x4;
	[sflag:s16] =	ssyncset.done $0x0;
	v21 =	vmov s14  }
0x82: {  	[sflag:s16] =	ssyncadd.s32 $0xFFFFC800;
	s14 =	sadd.s32 @!p0 $0xD, s13  }
0x83: {  	_ =	swait.ge @!p0 [sflag:s14], $0x800  }
0x84: {  	[sflag:s14] =	ssyncset.done @!p0 $0x0  }
0x85: {  	[sflag:s14] =	ssyncadd.s32 @!p0 $0xFFFFF800;
	s14 =	simm.s32 $0x0  }
0x86: {  	v22 =	vld.idx.msk [tilespmem:v21+s14+$0xFFFFCF90 ss:$0x1], $0xffff  }
0x87: {  	v23 =	vld.idx.msk [tilespmem:v21+s14+$0xFFFFD790 ss:$0x1], $0xffff  }
0x88: {  	v24 =	vld.idx.msk [tilespmem:v21+s14+$0xFFFFDF90 ss:$0x1], $0xffff  }
0x89: {  	v25 =	vld.idx.msk [tilespmem:v21+s14+$0xFFFFE790 ss:$0x1], $0xffff  }
0x8a: {  	v26 =	vld.idx.msk [tilespmem:v21+s14+$0xFFFFEF90 ss:$0x1], $0xffff  }
0x8b: {  	s15 =	sshll.u32 s15, $0xB;
	v27 =	vld.idx.msk [tilespmem:v21+s14+$0xFFFFF790 ss:$0x1], $0xffff  }
0x8c: {  	s15 =	sor.u32 $0x12240, s15;
	v28 =	vld.idx.msk [tilespmem:v21+s14+$0xFFFFFF90 ss:$0x1], $0xffff;
	v23 =	vmax.f32 v22, v23  }
0x8d: {  	v22 =	vmov s15;
	v23 =	vmax.f32 v23, v24  }
0x8e: {  	v23 =	vmax.f32 v23, v25  }
0x8f: {  	v23 =	vmax.f32 v23, v26  }
0x90: {  	v23 =	vmax.f32 v23, v27  }
0x91: {  	v23 =	vmax.f32 v23, v28  }
0x92: {  	[tilespmem:v22+s14+$0xFFFFFFC0 ss:$0x1] =	vst.idx.msk $0xffff, v23  }
0x93: {  	v23 =	vld.idx.msk [tilespmem:v21+s14+$0xFFFFCFA0 ss:$0x1], $0xffff  }
0x94: {  	v24 =	vld.idx.msk [tilespmem:v21+s14+$0xFFFFD7A0 ss:$0x1], $0xffff  }
0x95: {  	v25 =	vld.idx.msk [tilespmem:v21+s14+$0xFFFFDFA0 ss:$0x1], $0xffff  }
0x96: {  	v26 =	vld.idx.msk [tilespmem:v21+s14+$0xFFFFE7A0 ss:$0x1], $0xffff  }
0x97: {  	v27 =	vld.idx.msk [tilespmem:v21+s14+$0xFFFFEFA0 ss:$0x1], $0xffff  }
0x98: {  	v57 =	vld.idx.msk [tilespmem:v21+s14+$0xFFFFF7A0 ss:$0x1], $0xffff  }
0x99: {  	v29 =	vld.idx.msk [tilespmem:v21+s14+$0xFFFFFFA0 ss:$0x1], $0xffff;
	v23 =	vmax.f32 v23, v24  }
0x9a: {  	v23 =	vmax.f32 v23, v25  }
0x9b: {  	v23 =	vmax.f32 v23, v26  }
0x9c: {  	v23 =	vmax.f32 v23, v27  }
0x9d: {  	v23 =	vmax.f32 v23, v57  }
0x9e: {  	v23 =	vmax.f32 v23, v29  }
0x9f: {  	[tilespmem:v22+s14+$0xFFFFFFD0 ss:$0x1] =	vst.idx.msk $0xffff, v23  }
0xa0: {  	v23 =	vld.idx.msk [tilespmem:v21+s14+$0xFFFFCFB0 ss:$0x1], $0xffff  }
0xa1: {  	v24 =	vld.idx.msk [tilespmem:v21+s14+$0xFFFFD7B0 ss:$0x1], $0xffff  }
0xa2: {  	v25 =	vld.idx.msk [tilespmem:v21+s14+$0xFFFFDFB0 ss:$0x1], $0xffff  }
0xa3: {  	v26 =	vld.idx.msk [tilespmem:v21+s14+$0xFFFFE7B0 ss:$0x1], $0xffff  }
0xa4: {  	v27 =	vld.idx.msk [tilespmem:v21+s14+$0xFFFFEFB0 ss:$0x1], $0xffff  }
0xa5: {  	v58 =	vld.idx.msk [tilespmem:v21+s14+$0xFFFFF7B0 ss:$0x1], $0xffff  }
0xa6: {  	v59 =	vld.idx.msk [tilespmem:v21+s14+$0xFFFFFFB0 ss:$0x1], $0xffff;
	v23 =	vmax.f32 v23, v24  }
0xa7: {  	v23 =	vmax.f32 v23, v25  }
0xa8: {  	v23 =	vmax.f32 v23, v26  }
0xa9: {  	v23 =	vmax.f32 v23, v27  }
0xaa: {  	v23 =	vmax.f32 v23, v58  }
0xab: {  	v23 =	vmax.f32 v23, v59  }
0xac: {  	[tilespmem:v22+s14+$0xFFFFFFE0 ss:$0x1] =	vst.idx.msk $0xffff, v23  }
0xad: {  	v23 =	vld.idx.msk [tilespmem:v21+s14+$0xFFFFD7C0 ss:$0x1], $0xffff  }
0xae: {  	v24 =	vld.idx.msk [tilespmem:v21+s14+$0xFFFFCFC0 ss:$0x1], $0xffff  }
0xaf: {  	v25 =	vld.idx.msk [tilespmem:v21+s14+$0xFFFFDFC0 ss:$0x1], $0xffff  }
0xb0: {  	v26 =	vld.idx.msk [tilespmem:v21+s14+$0xFFFFE7C0 ss:$0x1], $0xffff  }
0xb1: {  	v27 =	vld.idx.msk [tilespmem:v21+s14+$0xFFFFEFC0 ss:$0x1], $0xffff  }
0xb2: {  	v60 =	vld.idx.msk [tilespmem:v21+s14+$0xFFFFF7C0 ss:$0x1], $0xffff  }
0xb3: {  	v61 =	vld.idx.msk [tilespmem:v21+s14+$0xFFFFFFC0 ss:$0x1], $0xffff;
	v23 =	vmax.f32 v24, v23  }
0xb4: {  	v23 =	vmax.f32 v23, v25  }
0xb5: {  	v23 =	vmax.f32 v23, v26  }
0xb6: {  	v23 =	vmax.f32 v23, v27  }
0xb7: {  	v23 =	vmax.f32 v23, v60  }
0xb8: {  	v23 =	vmax.f32 v23, v61  }
0xb9: {  	[tilespmem:v22+s14+$0xFFFFFFF0 ss:$0x1] =	vst.idx.msk $0xffff, v23  }
0xba: {  	v23 =	vld.idx.msk [tilespmem:v21+s14+$0xFFFFCFD0 ss:$0x1], $0xffff  }
0xbb: {  	v24 =	vld.idx.msk [tilespmem:v21+s14+$0xFFFFD7D0 ss:$0x1], $0xffff  }
0xbc: {  	v25 =	vld.idx.msk [tilespmem:v21+s14+$0xFFFFDFD0 ss:$0x1], $0xffff  }
0xbd: {  	v26 =	vld.idx.msk [tilespmem:v21+s14+$0xFFFFE7D0 ss:$0x1], $0xffff  }
0xbe: {  	v27 =	vld.idx.msk [tilespmem:v21+s14+$0xFFFFEFD0 ss:$0x1], $0xffff  }
0xbf: {  	v62 =	vld.idx.msk [tilespmem:v21+s14+$0xFFFFF7D0 ss:$0x1], $0xffff  }
0xc0: {  	v63 =	vld.idx.msk [tilespmem:v21+s14+$0xFFFFFFD0 ss:$0x1], $0xffff;
	v23 =	vmax.f32 v23, v24  }
0xc1: {  	v23 =	vmax.f32 v23, v25  }
0xc2: {  	v23 =	vmax.f32 v23, v26  }
0xc3: {  	v23 =	vmax.f32 v23, v27  }
0xc4: {  	v23 =	vmax.f32 v23, v62  }
0xc5: {  	v23 =	vmax.f32 v23, v63  }
0xc6: {  	[tilespmem:v22+s14+$0x0 ss:$0x1] =	vst.idx.msk $0xffff, v23  }
0xc7: {  	s19 =	sshll.u32 s13, $0xB;
	v23 =	vld.idx.msk [tilespmem:v21+s14+$0xFFFFCFE0 ss:$0x1], $0xffff  }
0xc8: {  	s16 =	simm.s32 $0x200;
	s15 =	sor.u32 $0x12200, s19;
	v24 =	vld.idx.msk [tilespmem:v21+s14+$0xFFFFD7E0 ss:$0x1], $0xffff  }
.LBB2_7:
0xc9: {  	p0 =	sne.s32 s16, $0x1E00;
	v25 =	vld.idx.msk [tilespmem:v21+s14+$0xFFFFDFE0 ss:$0x1], $0xffff;
	s19 =	smov.u32 s16;
	s16 =	sadd.s32 $0x200, s16  }
0xca: {  	v26 =	vld.idx.msk [tilespmem:v21+s14+$0xFFFFE7E0 ss:$0x1], $0xffff  }
0xcb: {  	v27 =	vld.idx.msk [tilespmem:v21+s14+$0xFFFFEFE0 ss:$0x1], $0xffff  }
0xcc: {  	v28 =	vld.idx.msk [tilespmem:v21+s14+$0xFFFFF7E0 ss:$0x1], $0xffff  }
0xcd: {  	v29 =	vld.idx.msk [tilespmem:v21+s14+$0xFFFFFFE0 ss:$0x1], $0xffff  }
0xce: {  	v23 =	vmax.f32 v23, v24  }
0xcf: {  	v23 =	vmax.f32 v23, v25  }
0xd0: {  	v23 =	vmax.f32 v23, v26  }
0xd1: {  	s19 =	sshra.s32 s19, $0x2;
	v23 =	vmax.f32 v23, v27  }
0xd2: {  	v23 =	vmax.f32 v23, v28  }
0xd3: {  	v23 =	vmax.f32 v23, v29  }
0xd4: {  	[tilespmem:v22+s14+$0x10 ss:$0x1] =	vst.idx.msk $0xffff, v23  }
0xd5: {  	v23 =	vld.idx.msk [tilespmem:v21+s14+$0xFFFFCFF0 ss:$0x1], $0xffff  }
0xd6: {  	v24 =	vld.idx.msk [tilespmem:v21+s14+$0xFFFFD7F0 ss:$0x1], $0xffff  }
0xd7: {  	v25 =	vld.idx.msk [tilespmem:v21+s14+$0xFFFFDFF0 ss:$0x1], $0xffff  }
0xd8: {  	v26 =	vld.idx.msk [tilespmem:v21+s14+$0xFFFFE7F0 ss:$0x1], $0xffff  }
0xd9: {  	v27 =	vld.idx.msk [tilespmem:v21+s14+$0xFFFFEFF0 ss:$0x1], $0xffff  }
0xda: {  	v28 =	vld.idx.msk [tilespmem:v21+s14+$0xFFFFF7F0 ss:$0x1], $0xffff  }
0xdb: {  	v29 =	vld.idx.msk [tilespmem:v21+s14+$0xFFFFFFF0 ss:$0x1], $0xffff  }
0xdc: {  	v23 =	vmax.f32 v23, v24  }
0xdd: {  	v23 =	vmax.f32 v23, v25  }
0xde: {  	v23 =	vmax.f32 v23, v26  }
0xdf: {  	v23 =	vmax.f32 v23, v27  }
0xe0: {  	v23 =	vmax.f32 v23, v28  }
0xe1: {  	v23 =	vmax.f32 v23, v29  }
0xe2: {  	[tilespmem:v22+s14+$0x20 ss:$0x1] =	vst.idx.msk $0xffff, v23  }
0xe3: {  	v23 =	vld.idx.msk [tilespmem:v21+s14+$0xFFFFD000 ss:$0x1], $0xffff  }
0xe4: {  	v24 =	vld.idx.msk [tilespmem:v21+s14+$0xFFFFD800 ss:$0x1], $0xffff  }
0xe5: {  	v25 =	vld.idx.msk [tilespmem:v21+s14+$0xFFFFE000 ss:$0x1], $0xffff  }
0xe6: {  	v26 =	vld.idx.msk [tilespmem:v21+s14+$0xFFFFE800 ss:$0x1], $0xffff  }
0xe7: {  	v27 =	vld.idx.msk [tilespmem:v21+s14+$0xFFFFF000 ss:$0x1], $0xffff  }
0xe8: {  	v28 =	vld.idx.msk [tilespmem:v21+s14+$0xFFFFF800 ss:$0x1], $0xffff  }
0xe9: {  	v29 =	vld.idx.msk [tilespmem:v21+s14+$0x0 ss:$0x1], $0xffff  }
0xea: {  	v23 =	vmax.f32 v23, v24  }
0xeb: {  	v23 =	vmax.f32 v23, v25  }
0xec: {  	v23 =	vmax.f32 v23, v26  }
0xed: {  	v23 =	vmax.f32 v23, v27  }
0xee: {  	v23 =	vmax.f32 v23, v28  }
0xef: {  	v23 =	vmax.f32 v23, v29  }
0xf0: {  	[tilespmem:v22+s14+$0x30 ss:$0x1] =	vst.idx.msk $0xffff, v23;
	s14 =	smov.u32 s19  }
0xf1: {  	v23 =	vld.idx.msk [tilespmem:v21+s14+$0xFFFFCF90 ss:$0x1], $0xffff  }
0xf2: {  	v24 =	vld.idx.msk [tilespmem:v21+s14+$0xFFFFD790 ss:$0x1], $0xffff  }
0xf3: {  	v25 =	vld.idx.msk [tilespmem:v21+s14+$0xFFFFDF90 ss:$0x1], $0xffff  }
0xf4: {  	v26 =	vld.idx.msk [tilespmem:v21+s14+$0xFFFFE790 ss:$0x1], $0xffff  }
0xf5: {  	v27 =	vld.idx.msk [tilespmem:v21+s14+$0xFFFFEF90 ss:$0x1], $0xffff  }
0xf6: {  	v28 =	vld.idx.msk [tilespmem:v21+s14+$0xFFFFF790 ss:$0x1], $0xffff  }
0xf7: {  	v29 =	vld.idx.msk [tilespmem:v21+s14+$0xFFFFFF90 ss:$0x1], $0xffff  }
0xf8: {  	v23 =	vmax.f32 v23, v24  }
0xf9: {  	v23 =	vmax.f32 v23, v25  }
0xfa: {  	v23 =	vmax.f32 v23, v26  }
0xfb: {  	v23 =	vmax.f32 v23, v27  }
0xfc: {  	v23 =	vmax.f32 v23, v28  }
0xfd: {  	v23 =	vmax.f32 v23, v29  }
0xfe: {  	[tilespmem:v22+s14+$0xFFFFFFC0 ss:$0x1] =	vst.idx.msk $0xffff, v23  }
0xff: {  	v23 =	vld.idx.msk [tilespmem:v21+s14+$0xFFFFCFA0 ss:$0x1], $0xffff  }
0x100: {  	v24 =	vld.idx.msk [tilespmem:v21+s14+$0xFFFFD7A0 ss:$0x1], $0xffff  }
0x101: {  	v25 =	vld.idx.msk [tilespmem:v21+s14+$0xFFFFDFA0 ss:$0x1], $0xffff  }
0x102: {  	v26 =	vld.idx.msk [tilespmem:v21+s14+$0xFFFFE7A0 ss:$0x1], $0xffff  }
0x103: {  	v27 =	vld.idx.msk [tilespmem:v21+s14+$0xFFFFEFA0 ss:$0x1], $0xffff  }
0x104: {  	v28 =	vld.idx.msk [tilespmem:v21+s14+$0xFFFFF7A0 ss:$0x1], $0xffff  }
0x105: {  	v29 =	vld.idx.msk [tilespmem:v21+s14+$0xFFFFFFA0 ss:$0x1], $0xffff  }
0x106: {  	v23 =	vmax.f32 v23, v24  }
0x107: {  	v23 =	vmax.f32 v23, v25  }
0x108: {  	v23 =	vmax.f32 v23, v26  }
0x109: {  	v23 =	vmax.f32 v23, v27  }
0x10a: {  	v23 =	vmax.f32 v23, v28  }
0x10b: {  	v23 =	vmax.f32 v23, v29  }
0x10c: {  	[tilespmem:v22+s14+$0xFFFFFFD0 ss:$0x1] =	vst.idx.msk $0xffff, v23  }
0x10d: {  	v23 =	vld.idx.msk [tilespmem:v21+s14+$0xFFFFCFB0 ss:$0x1], $0xffff  }
0x10e: {  	v24 =	vld.idx.msk [tilespmem:v21+s14+$0xFFFFD7B0 ss:$0x1], $0xffff  }
0x10f: {  	v25 =	vld.idx.msk [tilespmem:v21+s14+$0xFFFFDFB0 ss:$0x1], $0xffff  }
0x110: {  	v26 =	vld.idx.msk [tilespmem:v21+s14+$0xFFFFE7B0 ss:$0x1], $0xffff  }
0x111: {  	v27 =	vld.idx.msk [tilespmem:v21+s14+$0xFFFFEFB0 ss:$0x1], $0xffff  }
0x112: {  	v28 =	vld.idx.msk [tilespmem:v21+s14+$0xFFFFF7B0 ss:$0x1], $0xffff  }
0x113: {  	v29 =	vld.idx.msk [tilespmem:v21+s14+$0xFFFFFFB0 ss:$0x1], $0xffff  }
0x114: {  	v23 =	vmax.f32 v23, v24  }
0x115: {  	v23 =	vmax.f32 v23, v25  }
0x116: {  	v23 =	vmax.f32 v23, v26  }
0x117: {  	v23 =	vmax.f32 v23, v27  }
0x118: {  	v23 =	vmax.f32 v23, v28  }
0x119: {  	v23 =	vmax.f32 v23, v29  }
0x11a: {  	[tilespmem:v22+s14+$0xFFFFFFE0 ss:$0x1] =	vst.idx.msk $0xffff, v23  }
0x11b: {  	v23 =	vld.idx.msk [tilespmem:v21+s14+$0xFFFFD7C0 ss:$0x1], $0xffff  }
0x11c: {  	v24 =	vld.idx.msk [tilespmem:v21+s14+$0xFFFFCFC0 ss:$0x1], $0xffff  }
0x11d: {  	v25 =	vld.idx.msk [tilespmem:v21+s14+$0xFFFFDFC0 ss:$0x1], $0xffff  }
0x11e: {  	v26 =	vld.idx.msk [tilespmem:v21+s14+$0xFFFFE7C0 ss:$0x1], $0xffff  }
0x11f: {  	v27 =	vld.idx.msk [tilespmem:v21+s14+$0xFFFFEFC0 ss:$0x1], $0xffff  }
0x120: {  	v28 =	vld.idx.msk [tilespmem:v21+s14+$0xFFFFF7C0 ss:$0x1], $0xffff  }
0x121: {  	v29 =	vld.idx.msk [tilespmem:v21+s14+$0xFFFFFFC0 ss:$0x1], $0xffff  }
0x122: {  	v23 =	vmax.f32 v24, v23  }
0x123: {  	v23 =	vmax.f32 v23, v25  }
0x124: {  	v23 =	vmax.f32 v23, v26  }
0x125: {  	v23 =	vmax.f32 v23, v27  }
0x126: {  	v23 =	vmax.f32 v23, v28  }
0x127: {  	v23 =	vmax.f32 v23, v29  }
0x128: {  	[tilespmem:v22+s14+$0xFFFFFFF0 ss:$0x1] =	vst.idx.msk $0xffff, v23  }
0x129: {  	v23 =	vld.idx.msk [tilespmem:v21+s14+$0xFFFFCFD0 ss:$0x1], $0xffff  }
0x12a: {  	v24 =	vld.idx.msk [tilespmem:v21+s14+$0xFFFFD7D0 ss:$0x1], $0xffff  }
0x12b: {  	v25 =	vld.idx.msk [tilespmem:v21+s14+$0xFFFFDFD0 ss:$0x1], $0xffff  }
0x12c: {  	v26 =	vld.idx.msk [tilespmem:v21+s14+$0xFFFFE7D0 ss:$0x1], $0xffff  }
0x12d: {  	v27 =	vld.idx.msk [tilespmem:v21+s14+$0xFFFFEFD0 ss:$0x1], $0xffff  }
0x12e: {  	v28 =	vld.idx.msk [tilespmem:v21+s14+$0xFFFFF7D0 ss:$0x1], $0xffff  }
0x12f: {  	v29 =	vld.idx.msk [tilespmem:v21+s14+$0xFFFFFFD0 ss:$0x1], $0xffff  }
0x130: {  	v23 =	vmax.f32 v23, v24  }
0x131: {  	v23 =	vmax.f32 v23, v25  }
0x132: {  	v23 =	vmax.f32 v23, v26  }
0x133: {  	v23 =	vmax.f32 v23, v27  }
.Ltmp3:
0x134: {  	v23 =	vmax.f32 v23, v28;
	(pc) =	sbr.rel @p0 .LBB2_7-.Ltmp3, $4  }
0x135: {  	v23 =	vmax.f32 v23, v29  }
0x136: {  	[tilespmem:v22+s14+$0x0 ss:$0x1] =	vst.idx.msk $0xffff, v23  }
0x137: {  	v23 =	vld.idx.msk [tilespmem:v21+s14+$0xFFFFCFE0 ss:$0x1], $0xffff  }
0x138: {  	v24 =	vld.idx.msk [tilespmem:v21+s14+$0xFFFFD7E0 ss:$0x1], $0xffff  }
0x139: {  	_ =	sdelay $0x3  }
0x13a: {  	v25 =	vld.idx.msk [tilespmem:v21+s14+$0xFFFFDFE0 ss:$0x1], $0xffff  }
0x13b: {  	v26 =	vld.idx.msk [tilespmem:v21+s14+$0xFFFFE7E0 ss:$0x1], $0xffff  }
0x13c: {  	v27 =	vld.idx.msk [tilespmem:v21+s14+$0xFFFFEFE0 ss:$0x1], $0xffff  }
0x13d: {  	v28 =	vld.idx.msk [tilespmem:v21+s14+$0xFFFFF7E0 ss:$0x1], $0xffff  }
0x13e: {  	v29 =	vld.idx.msk [tilespmem:v21+s14+$0xFFFFFFE0 ss:$0x1], $0xffff;
	v23 =	vmax.f32 v23, v24  }
0x13f: {  	v23 =	vmax.f32 v23, v25  }
0x140: {  	v23 =	vmax.f32 v23, v26  }
0x141: {  	v23 =	vmax.f32 v23, v27  }
0x142: {  	v23 =	vmax.f32 v23, v28  }
0x143: {  	v23 =	vmax.f32 v23, v29  }
0x144: {  	[tilespmem:v22+s14+$0x10 ss:$0x1] =	vst.idx.msk $0xffff, v23  }
0x145: {  	v23 =	vld.idx.msk [tilespmem:v21+s14+$0xFFFFCFF0 ss:$0x1], $0xffff  }
0x146: {  	v53 =	vld.idx.msk [tilespmem:v21+s14+$0xFFFFD7F0 ss:$0x1], $0xffff  }
0x147: {  	v54 =	vld.idx.msk [tilespmem:v21+s14+$0xFFFFDFF0 ss:$0x1], $0xffff  }
0x148: {  	v55 =	vld.idx.msk [tilespmem:v21+s14+$0xFFFFE7F0 ss:$0x1], $0xffff  }
0x149: {  	v56 =	vld.idx.msk [tilespmem:v21+s14+$0xFFFFEFF0 ss:$0x1], $0xffff  }
0x14a: {  	v57 =	vld.idx.msk [tilespmem:v21+s14+$0xFFFFF7F0 ss:$0x1], $0xffff  }
0x14b: {  	v58 =	vld.idx.msk [tilespmem:v21+s14+$0xFFFFFFF0 ss:$0x1], $0xffff;
	v23 =	vmax.f32 v23, v53  }
0x14c: {  	v23 =	vmax.f32 v23, v54  }
0x14d: {  	v23 =	vmax.f32 v23, v55  }
0x14e: {  	v23 =	vmax.f32 v23, v56  }
0x14f: {  	v23 =	vmax.f32 v23, v57  }
0x150: {  	v23 =	vmax.f32 v23, v58  }
0x151: {  	[tilespmem:v22+s14+$0x20 ss:$0x1] =	vst.idx.msk $0xffff, v23  }
0x152: {  	v23 =	vld.idx.msk [tilespmem:v21+s14+$0xFFFFD000 ss:$0x1], $0xffff  }
0x153: {  	v59 =	vld.idx.msk [tilespmem:v21+s14+$0xFFFFD800 ss:$0x1], $0xffff  }
0x154: {  	v60 =	vld.idx.msk [tilespmem:v21+s14+$0xFFFFE000 ss:$0x1], $0xffff  }
0x155: {  	v61 =	vld.idx.msk [tilespmem:v21+s14+$0xFFFFE800 ss:$0x1], $0xffff  }
0x156: {  	v62 =	vld.idx.msk [tilespmem:v21+s14+$0xFFFFF000 ss:$0x1], $0xffff  }
0x157: {  	v63 =	vld.idx.msk [tilespmem:v21+s14+$0xFFFFF800 ss:$0x1], $0xffff  }
0x158: {  	v21 =	vld.idx.msk [tilespmem:v21+s14+$0x0 ss:$0x1], $0xffff;
	v23 =	vmax.f32 v23, v59  }
0x159: {  	s16 =	sshll.u32 s12, $0x8;
	s12 =	sadd.s32 $0x1, s12;
	v23 =	vmax.f32 v23, v60  }
0x15a: {  	p0 =	sne.s32 s12, $0x31;
	v23 =	vmax.f32 v23, v61  }
.Ltmp4:
0x15b: {  	v23 =	vmax.f32 v23, v62;
	(pc) =	sbr.rel @p0 .LBB2_2-.Ltmp4, $4  }
0x15c: {  	v23 =	vmax.f32 v23, v63  }
0x15d: {  	v21 =	vmax.f32 v23, v21  }
0x15e: {  	s13 =	sadd.s32 $0xD, s13;
	s0 =	sadd.s32 $0x1, s0;
	s19 =	sadd.s32 s16, s10;
	[tilespmem:v22+s14+$0x30 ss:$0x1] =	vst.idx.msk $0xffff, v21  }
0x15f: {  	[hbm4b:s19+s3] =	stream.linear.scatter [tilespmem:s15], [sflag:s13], $0x800, $0x38;
	[tilespmem:$0x14200] =	vst v63  }
0x160: {  	_ =	swait.ge [sflag:s28], $0x800  }
0x161: {  	[sflag:s28] =	ssyncset.done $0x0  }
0x162: {  	[sflag:s28] =	ssyncadd.s32 $0xFFFFF800  }
0x163: {  	_ =	swait.ge [sflag:s29], $0x800  }
0x164: {  	[sflag:s29] =	ssyncset.done $0x0  }
0x165: {  	s1 =	sadd.s32 $0x1, s1;
	[sflag:s29] =	ssyncadd.s32 $0xFFFFF800  }
0x166: {  	p0 =	sne.s32 s1, s11;
	_ =	swait.ge [sflag:s30], $0x800  }
.Ltmp5:
0x167: {  	[sflag:s30] =	ssyncset.done $0x0;
	(pc) =	sbr.rel @p0 .LBB2_1-.Ltmp5, $4  }
0x168: {  	[sflag:s30] =	ssyncadd.s32 $0xFFFFF800  }
0x169: {  	_ =	swait.ge [sflag:s31], $0x800  }
0x16a: {  	[sflag:s31] =	ssyncset.done $0x0  }
0x16b: {  	[sflag:s31] =	ssyncadd.s32 $0xFFFFF800  }
0x16c: {  	_ =	sfence.sel $0x180000  }
0x16d: {  	[bflag:$0x0] =	sbarrier.arrive $0xFFFF  }
0x16e: {  	_ =	strace $0x90000047  }
0x16f: {  	s0 =	stileid.u32;
	[bflag:$0x2] =	sbarrier.arrive $0xFFFF  }
0x170: {  	p0 =	sne.s32 s0, $0x0;
	s0 =	rddreg [dreg:$0x3]  }
0x171: {  	s0 =	sadd.s32 @!p0 $0x100000, s0  }
0x172: {  	[sflag:s0] =	ssyncadd.tile.s32 @!p0 $0x1;
	_ =	shalt  }
.Lfunc_end2:
_tile_overlayer_lowered:
.L_overlay_start_2:
0x173: {  	(tag) =	ssettag $0x2  }
0x174: {  	s0 =	rddreg [dreg:$0x0];
	s2 =	stileid.u32  }
0x175: {  	s1 =	rddreg [dreg:$0x1];
	p0 =	sne.s32 s2, $0x0  }
0x176: {  	s3 =	rddreg [dreg:$0x2];
	[bflag:$0x3] =	sbarrier.arrive $0xFFFF;
	s2 =	simm.s32 @!p0 $0x1C11  }
0x177: {  	[timem:s3], [sflag:s2] =	dma.local @!p0 [hbm:s0], s1  }
0x178: {  	s0 =	simm.s32 @!p0 $0x11  }
0x179: {  	_ =	swait.ge @!p0 [sflag:s0], s1  }
0x17a: {  	s1 =	ssub.s32 @!p0 $0x0, s1;
	[sflag:s0] =	ssyncset.done @!p0 $0x0  }
0x17b: {  	[sflag:s0] =	ssyncadd.s32 @!p0 s1  }
0x17c: {  	[bflag:$0x3] =	sbarrier.arrive $0xFFFF  }
0x17d: {  	_ =	shalt  }

</sc_bundles>
